<compile_context>
chip_gen: v7x
topology: tpu7x:2x2x1
jax: 0.10.2.dev20260603
libtpu: 0.0.44.dev20260713+nightly
codegen_flags: <defaults>
</compile_context>

<pallas_src>
import functools

import jax
import jax.numpy as jnp
from jax import lax
from jax.experimental import pallas as pl
from jax.experimental.pallas import tpu as pltpu
from jax.experimental.pallas import tpu_sc as plsc

N = 10000
D = 128
E = 320000

NC = 2
NS = 16
NW = NC * NS
CHUNK = 128
CPW = -(-E // (NW * CHUNK))
CF = 103
CS = 2 * CPW - CF
E_PAD = NW * CPW * CHUNK
N_PAD = 10240
RPT = N_PAD // NS

_MESH = plsc.VectorSubcoreMesh(core_axis_name="c", subcore_axis_name="s")


def _sc_body(with_cnt, h_hbm, src_hbm, dst_hbm, agg_out, cnt_a, cnt_b,
             shared_agg, shared_cnt, rows_v, idx_s, idx_d, ones_v, zc_v, sem):
    cid = lax.axis_index("c")
    sid = lax.axis_index("s")

    zvec = jnp.zeros((16,), jnp.float32)

    def _zrow(i, _):
        for j in range(8):
            rows_v[i, pl.ds(j * 16, 16)] = zvec
        return 0

    lax.fori_loop(0, CHUNK, _zrow, 0)

    def _zc(i, _):
        zc_v[pl.ds(pl.multiple_of(i * 16, 16), 16)] = zvec
        return 0

    lax.fori_loop(0, RPT // 16, _zc, 0)

    if with_cnt:
        ovec = jnp.ones((16,), jnp.float32)

        def _ones(i, _):
            ones_v[pl.ds(pl.multiple_of(i * 16, 16), 16)] = ovec
            return 0

        lax.fori_loop(0, CHUNK // 16, _ones, 0)

    for u in range(RPT // CHUNK):
        pltpu.sync_copy(rows_v, shared_agg.at[pl.ds(sid * RPT + u * CHUNK, CHUNK)])
    pltpu.sync_copy(zc_v, shared_cnt.at[pl.ds(sid * RPT, RPT)])
    plsc.subcore_barrier()

    my_cpw = jnp.where(cid == 0, CF, CS)
    bc = jnp.where(cid == 0, sid * CF, NS * CF + sid * CS)
    base = bc * CHUNK

    def _edge_chunk(j, _):
        @pl.when(j < my_cpw)
        def _():
            off = pl.multiple_of(base + j * CHUNK, 8)
            pltpu.sync_copy(src_hbm.at[pl.ds(off, CHUNK)], idx_s)
            pltpu.sync_copy(dst_hbm.at[pl.ds(off, CHUNK)], idx_d)
            pltpu.async_copy(h_hbm.at[idx_s], rows_v, sem).wait()
            pltpu.sync_copy(rows_v, shared_agg.at[idx_d], add=True)
            if with_cnt:
                pltpu.sync_copy(ones_v, shared_cnt.at[idx_d], add=True)
        return 0

    lax.fori_loop(0, CF, _edge_chunk, 0)
    plsc.subcore_barrier()

    row0 = sid * RPT
    pltpu.sync_copy(shared_agg.at[pl.ds(row0, RPT)],
                    agg_out.at[pl.ds(cid * N_PAD + row0, RPT)])
    if with_cnt:
        @pl.when(cid == 0)
        def _():
            pltpu.sync_copy(shared_cnt.at[pl.ds(row0, RPT)],
                            cnt_a.at[pl.ds(row0, RPT)])

        @pl.when(cid == 1)
        def _():
            pltpu.sync_copy(shared_cnt.at[pl.ds(row0, RPT)],
                            cnt_b.at[pl.ds(row0, RPT)])


def _make_sc(with_cnt):
    outs = [jax.ShapeDtypeStruct((NC * N_PAD, D), jnp.float32)]
    if with_cnt:
        outs += [jax.ShapeDtypeStruct((N_PAD,), jnp.float32)] * 2
    body = functools.partial(_sc_body, with_cnt)
    if not with_cnt:
        def body(h, srcv, dstv, agg, *rest):
            return _sc_body(False, h, srcv, dstv, agg, None, None, *rest)
    return pl.kernel(
        body,
        out_type=outs,
        mesh=_MESH,
        scratch_types=[
            pltpu.VMEM_SHARED((N_PAD, D), jnp.float32),
            pltpu.VMEM_SHARED((N_PAD,), jnp.float32),
            pltpu.VMEM((CHUNK, D), jnp.float32),
            pltpu.VMEM((CHUNK,), jnp.int32),
            pltpu.VMEM((CHUNK,), jnp.int32),
            pltpu.VMEM((CHUNK,), jnp.float32),
            pltpu.VMEM((RPT,), jnp.float32),
            pltpu.SemaphoreType.DMA,
        ],
    )


_sc_agg_cnt = _make_sc(True)
_sc_agg = _make_sc(False)

BN = 1024


def _tc_body(relu, agg0_ref, agg1_ref, ca_ref, cb_ref, h_ref, wn_ref, ws_ref,
             b_ref, out_ref):
    cnt = ca_ref[...] + cb_ref[...]
    inv = 1.0 / jnp.maximum(cnt, 1.0)
    agg = (agg0_ref[0] + agg1_ref[0]) * inv[:, None]
    acc = jnp.dot(agg, wn_ref[...], preferred_element_type=jnp.float32)
    acc += jnp.dot(h_ref[...], ws_ref[...], preferred_element_type=jnp.float32)
    acc += b_ref[...][None, :]
    if relu:
        acc = jnp.maximum(acc, 0.0)
    out_ref[...] = acc


def _make_tc(relu):
    grid = N_PAD // BN
    return pl.pallas_call(
        functools.partial(_tc_body, relu),
        grid=(grid,),
        in_specs=[
            pl.BlockSpec((1, BN, D), lambda i: (0, i, 0)),
            pl.BlockSpec((1, BN, D), lambda i: (1, i, 0)),
            pl.BlockSpec((BN,), lambda i: (i,)),
            pl.BlockSpec((BN,), lambda i: (i,)),
            pl.BlockSpec((BN, D), lambda i: (i, 0)),
            pl.BlockSpec((D, D), lambda i: (0, 0)),
            pl.BlockSpec((D, D), lambda i: (0, 0)),
            pl.BlockSpec((D,), lambda i: (0,)),
        ],
        out_specs=pl.BlockSpec((BN, D), lambda i: (i, 0)),
        out_shape=jax.ShapeDtypeStruct((N, D), jnp.float32),
    )


_tc_relu = _make_tc(True)
_tc_lin = _make_tc(False)


def kernel(x, edge_index, W_self_0, W_neigh_0, b_0, W_self_1, W_neigh_1, b_1,
           W_self_2, W_neigh_2, b_2):
    pad = E_PAD - E
    src = jnp.concatenate([edge_index[0], jnp.zeros((pad,), jnp.int32)])
    dst = jnp.concatenate([edge_index[1], jnp.full((pad,), N, jnp.int32)])
    agg_f, cnt_a, cnt_b = _sc_agg_cnt(x, src, dst)
    agg = agg_f.reshape(NC, N_PAD, D)
    h = _tc_relu(agg, agg, cnt_a, cnt_b, x, W_neigh_0, W_self_0, b_0)

    agg = _sc_agg(h, src, dst)[0].reshape(NC, N_PAD, D)
    h = _tc_relu(agg, agg, cnt_a, cnt_b, h, W_neigh_1, W_self_1, b_1)

    agg = _sc_agg(h, src, dst)[0].reshape(NC, N_PAD, D)
    return _tc_lin(agg, agg, cnt_a, cnt_b, h, W_neigh_2, W_self_2, b_2)

# --- scband reference (transcript-rebuilt; emitter-appended) ---
"""Pipeline reference for scband-graph-sagerecommender-1039382086190 (READ-ONLY COPY).

The authoritative reference and input builder live on the scoring server;
editing this copy changes nothing except your own understanding.
"""

import jax, jax.numpy as jnp
import numpy as np

N = 10000
E = 320000
D = 128
H = 128
L = 3


def setup_inputs(seed: int = 0) -> dict:
    key = jax.random.key(seed)
    ks = jax.random.split(key, 2 + 3 * L)
    x = jax.random.normal(ks[0], (N, D), dtype=jnp.float32)
    edge_index = jax.random.randint(ks[1], (2, E), 0, N, dtype=jnp.int32)
    inp = {"x": x, "edge_index": edge_index}
    for i in range(L):
        in_dim = D if i == 0 else H
        inp[f"W_self_{i}"] = jax.random.normal(ks[2 + 3 * i], (in_dim, H), dtype=jnp.float32) * 0.05
        inp[f"W_neigh_{i}"] = jax.random.normal(ks[3 + 3 * i], (in_dim, H), dtype=jnp.float32) * 0.05
        inp[f"b_{i}"] = jnp.zeros((H,), dtype=jnp.float32)
    return inp


def _sage_layer(x, src, dst, W_self, W_neigh, b):
    # mean aggregation of neighbor (src) features onto dst nodes
    msgs = jnp.take(x, src, axis=0)
    agg = jax.ops.segment_sum(msgs, dst, num_segments=N)
    cnt = jax.ops.segment_sum(jnp.ones((src.shape[0], 1), dtype=jnp.float32), dst, num_segments=N)
    agg = agg / jnp.maximum(cnt, 1.0)
    # SAGEConv: lin_l(agg) + lin_r(x) + bias
    return agg @ W_neigh + x @ W_self + b


def reference(x, edge_index, W_self_0, W_neigh_0, b_0, W_self_1, W_neigh_1, b_1, W_self_2, W_neigh_2, b_2):
    src = edge_index[0]
    dst = edge_index[1]
    params = [(W_self_0, W_neigh_0, b_0), (W_self_1, W_neigh_1, b_1), (W_self_2, W_neigh_2, b_2)]
    h = x
    for i, (Ws, Wn, b) in enumerate(params):
        h = _sage_layer(h, src, dst, Ws, Wn, b)
        if i < L - 1:
            h = jax.nn.relu(h)
            # dropout p=0.5 is identity in eval mode
    return h

if __name__ == "__main__":
    import jax
    _d = setup_inputs()
    print(jax.jit(kernel)(*tuple(_d.values())))

</pallas_src>

<mosaic_0001>
#map = affine_map<(d0, d1) -> (0, 0)>
#map1 = affine_map<(d0, d1) -> (0)>
module attributes {stable_mosaic.version = 14 : i64} {
  func.func @body(%arg0: i32, %arg1: i32, %arg2: memref<10000x128xf32, #tpu.memory_space<hbm>>, %arg3: memref<323584xi32, #tpu.memory_space<hbm>>, %arg4: memref<323584xi32, #tpu.memory_space<hbm>>, %arg5: memref<20480x128xf32, #tpu.memory_space<hbm>>, %arg6: memref<10240x128xf32, #tpu.memory_space<vmem_shared>>, %arg7: memref<10240xf32, #tpu.memory_space<vmem_shared>>, %arg8: memref<128x128xf32, #tpu.memory_space<vmem>>, %arg9: memref<128xi32, #tpu.memory_space<vmem>>, %arg10: memref<128xi32, #tpu.memory_space<vmem>>, %arg11: memref<128xf32, #tpu.memory_space<vmem>>, %arg12: memref<640xf32, #tpu.memory_space<vmem>>, %arg13: memref<!tpu.dma_semaphore, #tpu.memory_space<semaphore_mem>>) attributes {dimension_semantics = [#tpu.dimension_semantics<core_parallel>, #tpu.dimension_semantics<subcore_parallel>], iteration_bounds = array<i64: 2, 16>, scalar_prefetch = 0 : i64, scratch_operands = 8 : i64, tpu.core_type = #tpu.core_type<sc_vector_subcore>, window_params = [{transform_indices = #map}, {transform_indices = #map1}, {transform_indices = #map1}, {transform_indices = #map}]} {
    %broadcast_in_dim3A = arith.constant 0.000000e+00 : f32
    %broadcast_in_dim3A_0 = vector.broadcast %broadcast_in_dim3A : f32 to vector<16xf32>
    %scan3A = arith.constant 0 : i32
    %scan3A_1 = arith.constant 0 : i32
    %scan3A_2 = arith.constant 128 : i32
    %scan3A_3 = arith.addi %scan3A_1, %scan3A_2 : i32
    %scan3A_4 = arith.constant 1 : i32
    %scan3A_5 = scf.for %scan3A_60 = %scan3A_1 to %scan3A_3 step %scan3A_4 iter_args(%scan3A_61 = %scan3A) -> (i32)  : i32 {
      %swap3A = arith.index_cast %scan3A_60 : i32 to index
      %swap3A_62 = arith.constant 0 : index
      %swap3A_63 = tpu.vector_load %arg8[%swap3A, %swap3A_62] {strides = array<i32>} : memref<128x128xf32, #tpu.memory_space<vmem>>, vector<1x16xf32>,
      %swap3A_64 = vector.shape_cast %swap3A_63 : vector<1x16xf32> to vector<16xf32>
      %swap3A_65 = vector.shape_cast %broadcast_in_dim3A_0 : vector<16xf32> to vector<1x16xf32>
      tpu.vector_store %arg8[%swap3A, %swap3A_62], %swap3A_65 {strides = array<i32>} : memref<128x128xf32, #tpu.memory_space<vmem>>, vector<1x16xf32>,
      %swap3A_66 = arith.index_cast %scan3A_60 : i32 to index
      %swap3A_67 = arith.constant 16 : index
      %swap3A_68 = tpu.vector_load %arg8[%swap3A_66, %swap3A_67] {strides = array<i32>} : memref<128x128xf32, #tpu.memory_space<vmem>>, vector<1x16xf32>,
      %swap3A_69 = vector.shape_cast %swap3A_68 : vector<1x16xf32> to vector<16xf32>
      %swap3A_70 = vector.shape_cast %broadcast_in_dim3A_0 : vector<16xf32> to vector<1x16xf32>
      tpu.vector_store %arg8[%swap3A_66, %swap3A_67], %swap3A_70 {strides = array<i32>} : memref<128x128xf32, #tpu.memory_space<vmem>>, vector<1x16xf32>,
      %swap3A_71 = arith.index_cast %scan3A_60 : i32 to index
      %swap3A_72 = arith.constant 32 : index
      %swap3A_73 = tpu.vector_load %arg8[%swap3A_71, %swap3A_72] {strides = array<i32>} : memref<128x128xf32, #tpu.memory_space<vmem>>, vector<1x16xf32>,
      %swap3A_74 = vector.shape_cast %swap3A_73 : vector<1x16xf32> to vector<16xf32>
      %swap3A_75 = vector.shape_cast %broadcast_in_dim3A_0 : vector<16xf32> to vector<1x16xf32>
      tpu.vector_store %arg8[%swap3A_71, %swap3A_72], %swap3A_75 {strides = array<i32>} : memref<128x128xf32, #tpu.memory_space<vmem>>, vector<1x16xf32>,
      %swap3A_76 = arith.index_cast %scan3A_60 : i32 to index
      %swap3A_77 = arith.constant 48 : index
      %swap3A_78 = tpu.vector_load %arg8[%swap3A_76, %swap3A_77] {strides = array<i32>} : memref<128x128xf32, #tpu.memory_space<vmem>>, vector<1x16xf32>,
      %swap3A_79 = vector.shape_cast %swap3A_78 : vector<1x16xf32> to vector<16xf32>
      %swap3A_80 = vector.shape_cast %broadcast_in_dim3A_0 : vector<16xf32> to vector<1x16xf32>
      tpu.vector_store %arg8[%swap3A_76, %swap3A_77], %swap3A_80 {strides = array<i32>} : memref<128x128xf32, #tpu.memory_space<vmem>>, vector<1x16xf32>,
      %swap3A_81 = arith.index_cast %scan3A_60 : i32 to index
      %swap3A_82 = arith.constant 64 : index
      %swap3A_83 = tpu.vector_load %arg8[%swap3A_81, %swap3A_82] {strides = array<i32>} : memref<128x128xf32, #tpu.memory_space<vmem>>, vector<1x16xf32>,
      %swap3A_84 = vector.shape_cast %swap3A_83 : vector<1x16xf32> to vector<16xf32>
      %swap3A_85 = vector.shape_cast %broadcast_in_dim3A_0 : vector<16xf32> to vector<1x16xf32>
      tpu.vector_store %arg8[%swap3A_81, %swap3A_82], %swap3A_85 {strides = array<i32>} : memref<128x128xf32, #tpu.memory_space<vmem>>, vector<1x16xf32>,
      %swap3A_86 = arith.index_cast %scan3A_60 : i32 to index
      %swap3A_87 = arith.constant 80 : index
      %swap3A_88 = tpu.vector_load %arg8[%swap3A_86, %swap3A_87] {strides = array<i32>} : memref<128x128xf32, #tpu.memory_space<vmem>>, vector<1x16xf32>,
      %swap3A_89 = vector.shape_cast %swap3A_88 : vector<1x16xf32> to vector<16xf32>
      %swap3A_90 = vector.shape_cast %broadcast_in_dim3A_0 : vector<16xf32> to vector<1x16xf32>
      tpu.vector_store %arg8[%swap3A_86, %swap3A_87], %swap3A_90 {strides = array<i32>} : memref<128x128xf32, #tpu.memory_space<vmem>>, vector<1x16xf32>,
      %swap3A_91 = arith.index_cast %scan3A_60 : i32 to index
      %swap3A_92 = arith.constant 96 : index
      %swap3A_93 = tpu.vector_load %arg8[%swap3A_91, %swap3A_92] {strides = array<i32>} : memref<128x128xf32, #tpu.memory_space<vmem>>, vector<1x16xf32>,
      %swap3A_94 = vector.shape_cast %swap3A_93 : vector<1x16xf32> to vector<16xf32>
      %swap3A_95 = vector.shape_cast %broadcast_in_dim3A_0 : vector<16xf32> to vector<1x16xf32>
      tpu.vector_store %arg8[%swap3A_91, %swap3A_92], %swap3A_95 {strides = array<i32>} : memref<128x128xf32, #tpu.memory_space<vmem>>, vector<1x16xf32>,
      %swap3A_96 = arith.index_cast %scan3A_60 : i32 to index
      %swap3A_97 = arith.constant 112 : index
      %swap3A_98 = tpu.vector_load %arg8[%swap3A_96, %swap3A_97] {strides = array<i32>} : memref<128x128xf32, #tpu.memory_space<vmem>>, vector<1x16xf32>,
      %swap3A_99 = vector.shape_cast %swap3A_98 : vector<1x16xf32> to vector<16xf32>
      %swap3A_100 = vector.shape_cast %broadcast_in_dim3A_0 : vector<16xf32> to vector<1x16xf32>
      tpu.vector_store %arg8[%swap3A_96, %swap3A_97], %swap3A_100 {strides = array<i32>} : memref<128x128xf32, #tpu.memory_space<vmem>>, vector<1x16xf32>,
      %scan3A_101 = arith.constant 0 : i32
      scf.yield %scan3A_101 : i32
    }
    %scan3A_6 = arith.constant 128 : i32
    %scan3A_7 = arith.constant 0 : i32
    %scan3A_8 = arith.constant 0 : i32
    %scan3A_9 = arith.constant 40 : i32
    %scan3A_10 = arith.addi %scan3A_8, %scan3A_9 : i32
    %scan3A_11 = arith.constant 1 : i32
    %scan3A_12 = scf.for %scan3A_60 = %scan3A_8 to %scan3A_10 step %scan3A_11 iter_args(%scan3A_61 = %scan3A_7) -> (i32)  : i32 {
      %mul3A_62 = arith.constant 16 : i32
      %mul3A_63 = arith.muli %scan3A_60, %mul3A_62 : i32
      %multiple_of3A = tpu.assume_multiple %mul3A_63, 16 : i32
      %swap3A = arith.index_cast %multiple_of3A : i32 to index
      %swap3A_64 = tpu.vector_load %arg12[%swap3A] {strides = array<i32>} : memref<640xf32, #tpu.memory_space<vmem>>, vector<16xf32>,
      %swap3A_65 = vector.shape_cast %swap3A_64 : vector<16xf32> to vector<16xf32>
      %swap3A_66 = vector.shape_cast %broadcast_in_dim3A_0 : vector<16xf32> to vector<16xf32>
      tpu.vector_store %arg12[%swap3A], %swap3A_66 {strides = array<i32>} : memref<640xf32, #tpu.memory_space<vmem>>, vector<16xf32>,
      %scan3A_67 = arith.constant 0 : i32
      scf.yield %scan3A_67 : i32
    }
    %scan3A_13 = arith.constant 40 : i32
    %mul3A = arith.constant 640 : i32
    %mul3A_14 = arith.muli %arg1, %mul3A : i32
    %add3A = arith.constant 0 : i32
    %add3A_15 = arith.addi %mul3A_14, %add3A : i32
    "tpu.region"() ({
      %run_scoped3A = tpu.sem_alloc : memref<!tpu.dma_semaphore, #tpu.memory_space<semaphore_mem>>
      %dma_start3A = arith.constant 0 : i32
      %dma_start3A_60 = tpu.memref_slice %arg6[%add3A_15, %dma_start3A] : memref<10240x128xf32, #tpu.memory_space<vmem_shared>> -> memref<128x128xf32, #tpu.memory_space<vmem_shared>>
      %dma_start3A_61 = arith.constant 0 : i32
      %dma_start3A_62 = tpu.memref_slice %arg6[%add3A_15, %dma_start3A_61] : memref<10240x128xf32, #tpu.memory_space<vmem_shared>> -> memref<128x128xf32, #tpu.memory_space<vmem_shared>>
      tpu.enqueue_dma source(%arg8 : memref<128x128xf32, #tpu.memory_space<vmem>>) target(%dma_start3A_62 : memref<128x128xf32, #tpu.memory_space<vmem_shared>>) target_semaphore(%run_scoped3A : memref<!tpu.dma_semaphore, #tpu.memory_space<semaphore_mem>>)
      %dma_wait3A = arith.constant 0 : i32
      %dma_wait3A_63 = tpu.memref_slice %arg6[%add3A_15, %dma_wait3A] : memref<10240x128xf32, #tpu.memory_space<vmem_shared>> -> memref<128x128xf32, #tpu.memory_space<vmem_shared>>
      %dma_wait3A_64 = arith.constant 0 : i32
      %dma_wait3A_65 = tpu.memref_slice %arg6[%add3A_15, %dma_wait3A_64] : memref<10240x128xf32, #tpu.memory_space<vmem_shared>> -> memref<128x128xf32, #tpu.memory_space<vmem_shared>>
      tpu.wait_dma2 semaphore(%run_scoped3A : memref<!tpu.dma_semaphore, #tpu.memory_space<semaphore_mem>>) src(%arg8 : memref<128x128xf32, #tpu.memory_space<vmem>>) dst(%dma_wait3A_65 : memref<128x128xf32, #tpu.memory_space<vmem_shared>>)
      tpu.yield
    }) : () -> ()
    %mul3A_16 = arith.constant 640 : i32
    %mul3A_17 = arith.muli %arg1, %mul3A_16 : i32
    %add3A_18 = arith.constant 128 : i32
    %add3A_19 = arith.addi %mul3A_17, %add3A_18 : i32
    "tpu.region"() ({
      %run_scoped3A = tpu.sem_alloc : memref<!tpu.dma_semaphore, #tpu.memory_space<semaphore_mem>>
      %dma_start3A = arith.constant 0 : i32
      %dma_start3A_60 = tpu.memref_slice %arg6[%add3A_19, %dma_start3A] : memref<10240x128xf32, #tpu.memory_space<vmem_shared>> -> memref<128x128xf32, #tpu.memory_space<vmem_shared>>
      %dma_start3A_61 = arith.constant 0 : i32
      %dma_start3A_62 = tpu.memref_slice %arg6[%add3A_19, %dma_start3A_61] : memref<10240x128xf32, #tpu.memory_space<vmem_shared>> -> memref<128x128xf32, #tpu.memory_space<vmem_shared>>
      tpu.enqueue_dma source(%arg8 : memref<128x128xf32, #tpu.memory_space<vmem>>) target(%dma_start3A_62 : memref<128x128xf32, #tpu.memory_space<vmem_shared>>) target_semaphore(%run_scoped3A : memref<!tpu.dma_semaphore, #tpu.memory_space<semaphore_mem>>)
      %dma_wait3A = arith.constant 0 : i32
      %dma_wait3A_63 = tpu.memref_slice %arg6[%add3A_19, %dma_wait3A] : memref<10240x128xf32, #tpu.memory_space<vmem_shared>> -> memref<128x128xf32, #tpu.memory_space<vmem_shared>>
      %dma_wait3A_64 = arith.constant 0 : i32
      %dma_wait3A_65 = tpu.memref_slice %arg6[%add3A_19, %dma_wait3A_64] : memref<10240x128xf32, #tpu.memory_space<vmem_shared>> -> memref<128x128xf32, #tpu.memory_space<vmem_shared>>
      tpu.wait_dma2 semaphore(%run_scoped3A : memref<!tpu.dma_semaphore, #tpu.memory_space<semaphore_mem>>) src(%arg8 : memref<128x128xf32, #tpu.memory_space<vmem>>) dst(%dma_wait3A_65 : memref<128x128xf32, #tpu.memory_space<vmem_shared>>)
      tpu.yield
    }) : () -> ()
    %mul3A_20 = arith.constant 640 : i32
    %mul3A_21 = arith.muli %arg1, %mul3A_20 : i32
    %add3A_22 = arith.constant 256 : i32
    %add3A_23 = arith.addi %mul3A_21, %add3A_22 : i32
    "tpu.region"() ({
      %run_scoped3A = tpu.sem_alloc : memref<!tpu.dma_semaphore, #tpu.memory_space<semaphore_mem>>
      %dma_start3A = arith.constant 0 : i32
      %dma_start3A_60 = tpu.memref_slice %arg6[%add3A_23, %dma_start3A] : memref<10240x128xf32, #tpu.memory_space<vmem_shared>> -> memref<128x128xf32, #tpu.memory_space<vmem_shared>>
      %dma_start3A_61 = arith.constant 0 : i32
      %dma_start3A_62 = tpu.memref_slice %arg6[%add3A_23, %dma_start3A_61] : memref<10240x128xf32, #tpu.memory_space<vmem_shared>> -> memref<128x128xf32, #tpu.memory_space<vmem_shared>>
      tpu.enqueue_dma source(%arg8 : memref<128x128xf32, #tpu.memory_space<vmem>>) target(%dma_start3A_62 : memref<128x128xf32, #tpu.memory_space<vmem_shared>>) target_semaphore(%run_scoped3A : memref<!tpu.dma_semaphore, #tpu.memory_space<semaphore_mem>>)
      %dma_wait3A = arith.constant 0 : i32
      %dma_wait3A_63 = tpu.memref_slice %arg6[%add3A_23, %dma_wait3A] : memref<10240x128xf32, #tpu.memory_space<vmem_shared>> -> memref<128x128xf32, #tpu.memory_space<vmem_shared>>
      %dma_wait3A_64 = arith.constant 0 : i32
      %dma_wait3A_65 = tpu.memref_slice %arg6[%add3A_23, %dma_wait3A_64] : memref<10240x128xf32, #tpu.memory_space<vmem_shared>> -> memref<128x128xf32, #tpu.memory_space<vmem_shared>>
      tpu.wait_dma2 semaphore(%run_scoped3A : memref<!tpu.dma_semaphore, #tpu.memory_space<semaphore_mem>>) src(%arg8 : memref<128x128xf32, #tpu.memory_space<vmem>>) dst(%dma_wait3A_65 : memref<128x128xf32, #tpu.memory_space<vmem_shared>>)
      tpu.yield
    }) : () -> ()
    %mul3A_24 = arith.constant 640 : i32
    %mul3A_25 = arith.muli %arg1, %mul3A_24 : i32
    %add3A_26 = arith.constant 384 : i32
    %add3A_27 = arith.addi %mul3A_25, %add3A_26 : i32
    "tpu.region"() ({
      %run_scoped3A = tpu.sem_alloc : memref<!tpu.dma_semaphore, #tpu.memory_space<semaphore_mem>>
      %dma_start3A = arith.constant 0 : i32
      %dma_start3A_60 = tpu.memref_slice %arg6[%add3A_27, %dma_start3A] : memref<10240x128xf32, #tpu.memory_space<vmem_shared>> -> memref<128x128xf32, #tpu.memory_space<vmem_shared>>
      %dma_start3A_61 = arith.constant 0 : i32
      %dma_start3A_62 = tpu.memref_slice %arg6[%add3A_27, %dma_start3A_61] : memref<10240x128xf32, #tpu.memory_space<vmem_shared>> -> memref<128x128xf32, #tpu.memory_space<vmem_shared>>
      tpu.enqueue_dma source(%arg8 : memref<128x128xf32, #tpu.memory_space<vmem>>) target(%dma_start3A_62 : memref<128x128xf32, #tpu.memory_space<vmem_shared>>) target_semaphore(%run_scoped3A : memref<!tpu.dma_semaphore, #tpu.memory_space<semaphore_mem>>)
      %dma_wait3A = arith.constant 0 : i32
      %dma_wait3A_63 = tpu.memref_slice %arg6[%add3A_27, %dma_wait3A] : memref<10240x128xf32, #tpu.memory_space<vmem_shared>> -> memref<128x128xf32, #tpu.memory_space<vmem_shared>>
      %dma_wait3A_64 = arith.constant 0 : i32
      %dma_wait3A_65 = tpu.memref_slice %arg6[%add3A_27, %dma_wait3A_64] : memref<10240x128xf32, #tpu.memory_space<vmem_shared>> -> memref<128x128xf32, #tpu.memory_space<vmem_shared>>
      tpu.wait_dma2 semaphore(%run_scoped3A : memref<!tpu.dma_semaphore, #tpu.memory_space<semaphore_mem>>) src(%arg8 : memref<128x128xf32, #tpu.memory_space<vmem>>) dst(%dma_wait3A_65 : memref<128x128xf32, #tpu.memory_space<vmem_shared>>)
      tpu.yield
    }) : () -> ()
    %mul3A_28 = arith.constant 640 : i32
    %mul3A_29 = arith.muli %arg1, %mul3A_28 : i32
    %add3A_30 = arith.constant 512 : i32
    %add3A_31 = arith.addi %mul3A_29, %add3A_30 : i32
    "tpu.region"() ({
      %run_scoped3A = tpu.sem_alloc : memref<!tpu.dma_semaphore, #tpu.memory_space<semaphore_mem>>
      %dma_start3A = arith.constant 0 : i32
      %dma_start3A_60 = tpu.memref_slice %arg6[%add3A_31, %dma_start3A] : memref<10240x128xf32, #tpu.memory_space<vmem_shared>> -> memref<128x128xf32, #tpu.memory_space<vmem_shared>>
      %dma_start3A_61 = arith.constant 0 : i32
      %dma_start3A_62 = tpu.memref_slice %arg6[%add3A_31, %dma_start3A_61] : memref<10240x128xf32, #tpu.memory_space<vmem_shared>> -> memref<128x128xf32, #tpu.memory_space<vmem_shared>>
      tpu.enqueue_dma source(%arg8 : memref<128x128xf32, #tpu.memory_space<vmem>>) target(%dma_start3A_62 : memref<128x128xf32, #tpu.memory_space<vmem_shared>>) target_semaphore(%run_scoped3A : memref<!tpu.dma_semaphore, #tpu.memory_space<semaphore_mem>>)
      %dma_wait3A = arith.constant 0 : i32
      %dma_wait3A_63 = tpu.memref_slice %arg6[%add3A_31, %dma_wait3A] : memref<10240x128xf32, #tpu.memory_space<vmem_shared>> -> memref<128x128xf32, #tpu.memory_space<vmem_shared>>
      %dma_wait3A_64 = arith.constant 0 : i32
      %dma_wait3A_65 = tpu.memref_slice %arg6[%add3A_31, %dma_wait3A_64] : memref<10240x128xf32, #tpu.memory_space<vmem_shared>> -> memref<128x128xf32, #tpu.memory_space<vmem_shared>>
      tpu.wait_dma2 semaphore(%run_scoped3A : memref<!tpu.dma_semaphore, #tpu.memory_space<semaphore_mem>>) src(%arg8 : memref<128x128xf32, #tpu.memory_space<vmem>>) dst(%dma_wait3A_65 : memref<128x128xf32, #tpu.memory_space<vmem_shared>>)
      tpu.yield
    }) : () -> ()
    %mul3A_32 = arith.constant 640 : i32
    %mul3A_33 = arith.muli %arg1, %mul3A_32 : i32
    "tpu.region"() ({
      %run_scoped3A = tpu.sem_alloc : memref<!tpu.dma_semaphore, #tpu.memory_space<semaphore_mem>>
      %dma_start3A = tpu.memref_slice %arg7[%mul3A_33] : memref<10240xf32, #tpu.memory_space<vmem_shared>> -> memref<640xf32, #tpu.memory_space<vmem_shared>>
      %dma_start3A_60 = tpu.memref_slice %arg7[%mul3A_33] : memref<10240xf32, #tpu.memory_space<vmem_shared>> -> memref<640xf32, #tpu.memory_space<vmem_shared>>
      tpu.enqueue_dma source(%arg12 : memref<640xf32, #tpu.memory_space<vmem>>) target(%dma_start3A_60 : memref<640xf32, #tpu.memory_space<vmem_shared>>) target_semaphore(%run_scoped3A : memref<!tpu.dma_semaphore, #tpu.memory_space<semaphore_mem>>)
      %dma_wait3A = tpu.memref_slice %arg7[%mul3A_33] : memref<10240xf32, #tpu.memory_space<vmem_shared>> -> memref<640xf32, #tpu.memory_space<vmem_shared>>
      %dma_wait3A_61 = tpu.memref_slice %arg7[%mul3A_33] : memref<10240xf32, #tpu.memory_space<vmem_shared>> -> memref<640xf32, #tpu.memory_space<vmem_shared>>
      tpu.wait_dma2 semaphore(%run_scoped3A : memref<!tpu.dma_semaphore, #tpu.memory_space<semaphore_mem>>) src(%arg12 : memref<640xf32, #tpu.memory_space<vmem>>) dst(%dma_wait3A_61 : memref<640xf32, #tpu.memory_space<vmem_shared>>)
      tpu.yield
    }) : () -> ()
    %barrier3A = arith.constant 0 : index
    tpu.barrier barrier_id(%barrier3A)
    %eq3A = arith.constant 0 : i32
    %eq3A_34 = arith.cmpi eq, %arg0, %eq3A : i32
    %jit3A = arith.constant 103 : i32
    %jit3A_35 = arith.constant 55 : i32
    %select_n3A = arith.select %eq3A_34, %jit3A, %jit3A_35 : i32
    %eq3A_36 = arith.constant 0 : i32
    %eq3A_37 = arith.cmpi eq, %arg0, %eq3A_36 : i32
    %mul3A_38 = arith.constant 103 : i32
    %mul3A_39 = arith.muli %arg1, %mul3A_38 : i32
    %mul3A_40 = arith.constant 55 : i32
    %mul3A_41 = arith.muli %arg1, %mul3A_40 : i32
    %add3A_42 = arith.constant 1648 : i32
    %add3A_43 = arith.addi %add3A_42, %mul3A_41 : i32
    %select_n3A_44 = arith.select %eq3A_37, %mul3A_39, %add3A_43 : i32
    %mul3A_45 = arith.constant 128 : i32
    %mul3A_46 = arith.muli %select_n3A_44, %mul3A_45 : i32
    %scan3A_47 = arith.constant 0 : i32
    %scan3A_48 = arith.constant 0 : i32
    %scan3A_49 = arith.constant 103 : i32
    %scan3A_50 = arith.addi %scan3A_48, %scan3A_49 : i32
    %scan3A_51 = arith.constant 1 : i32
    %scan3A_52 = scf.for %scan3A_60 = %scan3A_48 to %scan3A_50 step %scan3A_51 iter_args(%scan3A_61 = %scan3A_47) -> (i32)  : i32 {
      %lt3A = arith.cmpi slt, %scan3A_60, %select_n3A : i32
      %convert_element_type3A = arith.extui %lt3A : i1 to i32
      %cond3A = arith.constant 0 : i32
      %cond3A_62 = arith.cmpi ne, %convert_element_type3A, %cond3A : i32
      scf.if %cond3A_62 {
        %mul3A_64 = arith.constant 128 : i32
        %mul3A_65 = arith.muli %scan3A_60, %mul3A_64 : i32
        %add3A_66 = arith.addi %mul3A_46, %mul3A_65 : i32
        %multiple_of3A = tpu.assume_multiple %add3A_66, 8 : i32
        "tpu.region"() ({
          %run_scoped3A = tpu.sem_alloc : memref<!tpu.dma_semaphore, #tpu.memory_space<semaphore_mem>>
          %dma_start3A_71 = tpu.memref_slice %arg3[%multiple_of3A] : memref<323584xi32, #tpu.memory_space<hbm>> -> memref<128xi32, #tpu.memory_space<hbm>>
          %dma_start3A_72 = tpu.memref_slice %arg3[%multiple_of3A] : memref<323584xi32, #tpu.memory_space<hbm>> -> memref<128xi32, #tpu.memory_space<hbm>>
          tpu.enqueue_dma source(%dma_start3A_72 : memref<128xi32, #tpu.memory_space<hbm>>) target(%arg9 : memref<128xi32, #tpu.memory_space<vmem>>) target_semaphore(%run_scoped3A : memref<!tpu.dma_semaphore, #tpu.memory_space<semaphore_mem>>)
          %dma_wait3A_73 = tpu.memref_slice %arg3[%multiple_of3A] : memref<323584xi32, #tpu.memory_space<hbm>> -> memref<128xi32, #tpu.memory_space<hbm>>
          %dma_wait3A_74 = tpu.memref_slice %arg3[%multiple_of3A] : memref<323584xi32, #tpu.memory_space<hbm>> -> memref<128xi32, #tpu.memory_space<hbm>>
          tpu.wait_dma2 semaphore(%run_scoped3A : memref<!tpu.dma_semaphore, #tpu.memory_space<semaphore_mem>>) src(%dma_wait3A_74 : memref<128xi32, #tpu.memory_space<hbm>>) dst(%arg9 : memref<128xi32, #tpu.memory_space<vmem>>)
          tpu.yield
        }) : () -> ()
        "tpu.region"() ({
          %run_scoped3A = tpu.sem_alloc : memref<!tpu.dma_semaphore, #tpu.memory_space<semaphore_mem>>
          %dma_start3A_71 = tpu.memref_slice %arg4[%multiple_of3A] : memref<323584xi32, #tpu.memory_space<hbm>> -> memref<128xi32, #tpu.memory_space<hbm>>
          %dma_start3A_72 = tpu.memref_slice %arg4[%multiple_of3A] : memref<323584xi32, #tpu.memory_space<hbm>> -> memref<128xi32, #tpu.memory_space<hbm>>
          tpu.enqueue_dma source(%dma_start3A_72 : memref<128xi32, #tpu.memory_space<hbm>>) target(%arg10 : memref<128xi32, #tpu.memory_space<vmem>>) target_semaphore(%run_scoped3A : memref<!tpu.dma_semaphore, #tpu.memory_space<semaphore_mem>>)
          %dma_wait3A_73 = tpu.memref_slice %arg4[%multiple_of3A] : memref<323584xi32, #tpu.memory_space<hbm>> -> memref<128xi32, #tpu.memory_space<hbm>>
          %dma_wait3A_74 = tpu.memref_slice %arg4[%multiple_of3A] : memref<323584xi32, #tpu.memory_space<hbm>> -> memref<128xi32, #tpu.memory_space<hbm>>
          tpu.wait_dma2 semaphore(%run_scoped3A : memref<!tpu.dma_semaphore, #tpu.memory_space<semaphore_mem>>) src(%dma_wait3A_74 : memref<128xi32, #tpu.memory_space<hbm>>) dst(%arg10 : memref<128xi32, #tpu.memory_space<vmem>>)
          tpu.yield
        }) : () -> ()
        %dma_start3A = arith.constant 0 : i32
        %dma_start3A_67 = arith.constant 0 : i32
        %dma_start3A_68 = tpu.memref_slice %arg2[%dma_start3A, %dma_start3A_67] : memref<10000x128xf32, #tpu.memory_space<hbm>> -> memref<10000x128xf32, #tpu.memory_space<hbm>>
        tpu.enqueue_indirect_dma source(%dma_start3A_68 : memref<10000x128xf32, #tpu.memory_space<hbm>>) target(%arg8 : memref<128x128xf32, #tpu.memory_space<vmem>>) offsets(%arg9 : memref<128xi32, #tpu.memory_space<vmem>>) semaphore(%arg13 : memref<!tpu.dma_semaphore, #tpu.memory_space<semaphore_mem>>)
        %dma_wait3A = arith.constant 0 : i32
        %dma_wait3A_69 = arith.constant 0 : i32
        %dma_wait3A_70 = tpu.memref_slice %arg2[%dma_wait3A, %dma_wait3A_69] : memref<10000x128xf32, #tpu.memory_space<hbm>> -> memref<10000x128xf32, #tpu.memory_space<hbm>>
        tpu.wait_indirect_dma semaphore(%arg13 : memref<!tpu.dma_semaphore, #tpu.memory_space<semaphore_mem>>) src(%dma_wait3A_70 : memref<10000x128xf32, #tpu.memory_space<hbm>>) dst(%arg8 : memref<128x128xf32, #tpu.memory_space<vmem>>)
        "tpu.region"() ({
          %run_scoped3A = tpu.sem_alloc : memref<!tpu.dma_semaphore, #tpu.memory_space<semaphore_mem>>
          %dma_start3A_71 = arith.constant 0 : i32
          %dma_start3A_72 = arith.constant 0 : i32
          %dma_start3A_73 = tpu.memref_slice %arg6[%dma_start3A_71, %dma_start3A_72] : memref<10240x128xf32, #tpu.memory_space<vmem_shared>> -> memref<10240x128xf32, #tpu.memory_space<vmem_shared>>
          tpu.enqueue_indirect_dma source(%arg8 : memref<128x128xf32, #tpu.memory_space<vmem>>) target(%dma_start3A_73 : memref<10240x128xf32, #tpu.memory_space<vmem_shared>>) offsets(%arg10 : memref<128xi32, #tpu.memory_space<vmem>>) semaphore(%run_scoped3A : memref<!tpu.dma_semaphore, #tpu.memory_space<semaphore_mem>>) {add = true}
          %dma_wait3A_74 = arith.constant 0 : i32
          %dma_wait3A_75 = arith.constant 0 : i32
          %dma_wait3A_76 = tpu.memref_slice %arg6[%dma_wait3A_74, %dma_wait3A_75] : memref<10240x128xf32, #tpu.memory_space<vmem_shared>> -> memref<10240x128xf32, #tpu.memory_space<vmem_shared>>
          tpu.wait_indirect_dma semaphore(%run_scoped3A : memref<!tpu.dma_semaphore, #tpu.memory_space<semaphore_mem>>) src(%arg8 : memref<128x128xf32, #tpu.memory_space<vmem>>) dst(%dma_wait3A_76 : memref<10240x128xf32, #tpu.memory_space<vmem_shared>>)
          tpu.yield
        }) : () -> ()
      } else {
      }
      %scan3A_63 = arith.constant 0 : i32
      scf.yield %scan3A_63 : i32
    }
    %scan3A_53 = arith.constant 103 : i32
    %barrier3A_54 = arith.constant 0 : index
    tpu.barrier barrier_id(%barrier3A_54)
    %mul3A_55 = arith.constant 640 : i32
    %mul3A_56 = arith.muli %arg1, %mul3A_55 : i32
    %mul3A_57 = arith.constant 10240 : i32
    %mul3A_58 = arith.muli %arg0, %mul3A_57 : i32
    %add3A_59 = arith.addi %mul3A_58, %mul3A_56 : i32
    "tpu.region"() ({
      %run_scoped3A = tpu.sem_alloc : memref<!tpu.dma_semaphore, #tpu.memory_space<semaphore_mem>>
      %dma_start3A = arith.constant 0 : i32
      %dma_start3A_60 = tpu.memref_slice %arg5[%add3A_59, %dma_start3A] : memref<20480x128xf32, #tpu.memory_space<hbm>> -> memref<640x128xf32, #tpu.memory_space<hbm>>
      %dma_start3A_61 = arith.constant 0 : i32
      %dma_start3A_62 = tpu.memref_slice %arg6[%mul3A_56, %dma_start3A_61] : memref<10240x128xf32, #tpu.memory_space<vmem_shared>> -> memref<640x128xf32, #tpu.memory_space<vmem_shared>>
      tpu.enqueue_dma source(%dma_start3A_62 : memref<640x128xf32, #tpu.memory_space<vmem_shared>>) target(%dma_start3A_60 : memref<640x128xf32, #tpu.memory_space<hbm>>) target_semaphore(%run_scoped3A : memref<!tpu.dma_semaphore, #tpu.memory_space<semaphore_mem>>)
      %dma_wait3A = arith.constant 0 : i32
      %dma_wait3A_63 = tpu.memref_slice %arg5[%add3A_59, %dma_wait3A] : memref<20480x128xf32, #tpu.memory_space<hbm>> -> memref<640x128xf32, #tpu.memory_space<hbm>>
      %dma_wait3A_64 = arith.constant 0 : i32
      %dma_wait3A_65 = tpu.memref_slice %arg6[%mul3A_56, %dma_wait3A_64] : memref<10240x128xf32, #tpu.memory_space<vmem_shared>> -> memref<640x128xf32, #tpu.memory_space<vmem_shared>>
      tpu.wait_dma2 semaphore(%run_scoped3A : memref<!tpu.dma_semaphore, #tpu.memory_space<semaphore_mem>>) src(%dma_wait3A_65 : memref<640x128xf32, #tpu.memory_space<vmem_shared>>) dst(%dma_wait3A_63 : memref<640x128xf32, #tpu.memory_space<hbm>>)
      tpu.yield
    }) : () -> ()
    return
  }
}

#map = affine_map<(d0, d1) -> (0, 0)>
#map1 = affine_map<(d0, d1) -> (0)>
module attributes {stable_mosaic.version = 14 : i64} {
  func.func @body(%arg0: i32, %arg1: i32, %arg2: memref<10000x128xf32, #tpu.memory_space<hbm>>, %arg3: memref<323584xi32, #tpu.memory_space<hbm>>, %arg4: memref<323584xi32, #tpu.memory_space<hbm>>, %arg5: memref<20480x128xf32, #tpu.memory_space<hbm>>, %arg6: memref<10240x128xf32, #tpu.memory_space<vmem_shared>>, %arg7: memref<10240xf32, #tpu.memory_space<vmem_shared>>, %arg8: memref<128x128xf32, #tpu.memory_space<vmem>>, %arg9: memref<128xi32, #tpu.memory_space<vmem>>, %arg10: memref<128xi32, #tpu.memory_space<vmem>>, %arg11: memref<128xf32, #tpu.memory_space<vmem>>, %arg12: memref<640xf32, #tpu.memory_space<vmem>>, %arg13: memref<!tpu.dma_semaphore, #tpu.memory_space<semaphore_mem>>) attributes {dimension_semantics = [#tpu.dimension_semantics<core_parallel>, #tpu.dimension_semantics<subcore_parallel>], iteration_bounds = array<i64: 2, 16>, scalar_prefetch = 0 : i64, scratch_operands = 8 : i64, tpu.core_type = #tpu.core_type<sc_vector_subcore>, window_params = [{transform_indices = #map}, {transform_indices = #map1}, {transform_indices = #map1}, {transform_indices = #map}]} {
    %broadcast_in_dim3A = arith.constant 0.000000e+00 : f32
    %broadcast_in_dim3A_0 = vector.broadcast %broadcast_in_dim3A : f32 to vector<16xf32>
    %scan3A = arith.constant 0 : i32
    %scan3A_1 = arith.constant 0 : i32
    %scan3A_2 = arith.constant 128 : i32
    %scan3A_3 = arith.addi %scan3A_1, %scan3A_2 : i32
    %scan3A_4 = arith.constant 1 : i32
    %scan3A_5 = scf.for %scan3A_60 = %scan3A_1 to %scan3A_3 step %scan3A_4 iter_args(%scan3A_61 = %scan3A) -> (i32)  : i32 {
      %swap3A = arith.index_cast %scan3A_60 : i32 to index
      %swap3A_62 = arith.constant 0 : index
      %swap3A_63 = tpu.vector_load %arg8[%swap3A, %swap3A_62] {strides = array<i32>} : memref<128x128xf32, #tpu.memory_space<vmem>>, vector<1x16xf32>,
      %swap3A_64 = vector.shape_cast %swap3A_63 : vector<1x16xf32> to vector<16xf32>
      %swap3A_65 = vector.shape_cast %broadcast_in_dim3A_0 : vector<16xf32> to vector<1x16xf32>
      tpu.vector_store %arg8[%swap3A, %swap3A_62], %swap3A_65 {strides = array<i32>} : memref<128x128xf32, #tpu.memory_space<vmem>>, vector<1x16xf32>,
      %swap3A_66 = arith.index_cast %scan3A_60 : i32 to index
      %swap3A_67 = arith.constant 16 : index
      %swap3A_68 = tpu.vector_load %arg8[%swap3A_66, %swap3A_67] {strides = array<i32>} : memref<128x128xf32, #tpu.memory_space<vmem>>, vector<1x16xf32>,
      %swap3A_69 = vector.shape_cast %swap3A_68 : vector<1x16xf32> to vector<16xf32>
      %swap3A_70 = vector.shape_cast %broadcast_in_dim3A_0 : vector<16xf32> to vector<1x16xf32>
      tpu.vector_store %arg8[%swap3A_66, %swap3A_67], %swap3A_70 {strides = array<i32>} : memref<128x128xf32, #tpu.memory_space<vmem>>, vector<1x16xf32>,
      %swap3A_71 = arith.index_cast %scan3A_60 : i32 to index
      %swap3A_72 = arith.constant 32 : index
      %swap3A_73 = tpu.vector_load %arg8[%swap3A_71, %swap3A_72] {strides = array<i32>} : memref<128x128xf32, #tpu.memory_space<vmem>>, vector<1x16xf32>,
      %swap3A_74 = vector.shape_cast %swap3A_73 : vector<1x16xf32> to vector<16xf32>
      %swap3A_75 = vector.shape_cast %broadcast_in_dim3A_0 : vector<16xf32> to vector<1x16xf32>
      tpu.vector_store %arg8[%swap3A_71, %swap3A_72], %swap3A_75 {strides = array<i32>} : memref<128x128xf32, #tpu.memory_space<vmem>>, vector<1x16xf32>,
      %swap3A_76 = arith.index_cast %scan3A_60 : i32 to index
      %swap3A_77 = arith.constant 48 : index
      %swap3A_78 = tpu.vector_load %arg8[%swap3A_76, %swap3A_77] {strides = array<i32>} : memref<128x128xf32, #tpu.memory_space<vmem>>, vector<1x16xf32>,
      %swap3A_79 = vector.shape_cast %swap3A_78 : vector<1x16xf32> to vector<16xf32>
      %swap3A_80 = vector.shape_cast %broadcast_in_dim3A_0 : vector<16xf32> to vector<1x16xf32>
      tpu.vector_store %arg8[%swap3A_76, %swap3A_77], %swap3A_80 {strides = array<i32>} : memref<128x128xf32, #tpu.memory_space<vmem>>, vector<1x16xf32>,
      %swap3A_81 = arith.index_cast %scan3A_60 : i32 to index
      %swap3A_82 = arith.constant 64 : index
      %swap3A_83 = tpu.vector_load %arg8[%swap3A_81, %swap3A_82] {strides = array<i32>} : memref<128x128xf32, #tpu.memory_space<vmem>>, vector<1x16xf32>,
      %swap3A_84 = vector.shape_cast %swap3A_83 : vector<1x16xf32> to vector<16xf32>
      %swap3A_85 = vector.shape_cast %broadcast_in_dim3A_0 : vector<16xf32> to vector<1x16xf32>
      tpu.vector_store %arg8[%swap3A_81, %swap3A_82], %swap3A_85 {strides = array<i32>} : memref<128x128xf32, #tpu.memory_space<vmem>>, vector<1x16xf32>,
      %swap3A_86 = arith.index_cast %scan3A_60 : i32 to index
      %swap3A_87 = arith.constant 80 : index
      %swap3A_88 = tpu.vector_load %arg8[%swap3A_86, %swap3A_87] {strides = array<i32>} : memref<128x128xf32, #tpu.memory_space<vmem>>, vector<1x16xf32>,
      %swap3A_89 = vector.shape_cast %swap3A_88 : vector<1x16xf32> to vector<16xf32>
      %swap3A_90 = vector.shape_cast %broadcast_in_dim3A_0 : vector<16xf32> to vector<1x16xf32>
      tpu.vector_store %arg8[%swap3A_86, %swap3A_87], %swap3A_90 {strides = array<i32>} : memref<128x128xf32, #tpu.memory_space<vmem>>, vector<1x16xf32>,
      %swap3A_91 = arith.index_cast %scan3A_60 : i32 to index
      %swap3A_92 = arith.constant 96 : index
      %swap3A_93 = tpu.vector_load %arg8[%swap3A_91, %swap3A_92] {strides = array<i32>} : memref<128x128xf32, #tpu.memory_space<vmem>>, vector<1x16xf32>,
      %swap3A_94 = vector.shape_cast %swap3A_93 : vector<1x16xf32> to vector<16xf32>
      %swap3A_95 = vector.shape_cast %broadcast_in_dim3A_0 : vector<16xf32> to vector<1x16xf32>
      tpu.vector_store %arg8[%swap3A_91, %swap3A_92], %swap3A_95 {strides = array<i32>} : memref<128x128xf32, #tpu.memory_space<vmem>>, vector<1x16xf32>,
      %swap3A_96 = arith.index_cast %scan3A_60 : i32 to index
      %swap3A_97 = arith.constant 112 : index
      %swap3A_98 = tpu.vector_load %arg8[%swap3A_96, %swap3A_97] {strides = array<i32>} : memref<128x128xf32, #tpu.memory_space<vmem>>, vector<1x16xf32>,
      %swap3A_99 = vector.shape_cast %swap3A_98 : vector<1x16xf32> to vector<16xf32>
      %swap3A_100 = vector.shape_cast %broadcast_in_dim3A_0 : vector<16xf32> to vector<1x16xf32>
      tpu.vector_store %arg8[%swap3A_96, %swap3A_97], %swap3A_100 {strides = array<i32>} : memref<128x128xf32, #tpu.memory_space<vmem>>, vector<1x16xf32>,
      %scan3A_101 = arith.constant 0 : i32
      scf.yield %scan3A_101 : i32
    }
    %scan3A_6 = arith.constant 128 : i32
    %scan3A_7 = arith.constant 0 : i32
    %scan3A_8 = arith.constant 0 : i32
    %scan3A_9 = arith.constant 40 : i32
    %scan3A_10 = arith.addi %scan3A_8, %scan3A_9 : i32
    %scan3A_11 = arith.constant 1 : i32
    %scan3A_12 = scf.for %scan3A_60 = %scan3A_8 to %scan3A_10 step %scan3A_11 iter_args(%scan3A_61 = %scan3A_7) -> (i32)  : i32 {
      %mul3A_62 = arith.constant 16 : i32
      %mul3A_63 = arith.muli %scan3A_60, %mul3A_62 : i32
      %multiple_of3A = tpu.assume_multiple %mul3A_63, 16 : i32
      %swap3A = arith.index_cast %multiple_of3A : i32 to index
      %swap3A_64 = tpu.vector_load %arg12[%swap3A] {strides = array<i32>} : memref<640xf32, #tpu.memory_space<vmem>>, vector<16xf32>,
      %swap3A_65 = vector.shape_cast %swap3A_64 : vector<16xf32> to vector<16xf32>
      %swap3A_66 = vector.shape_cast %broadcast_in_dim3A_0 : vector<16xf32> to vector<16xf32>
      tpu.vector_store %arg12[%swap3A], %swap3A_66 {strides = array<i32>} : memref<640xf32, #tpu.memory_space<vmem>>, vector<16xf32>,
      %scan3A_67 = arith.constant 0 : i32
      scf.yield %scan3A_67 : i32
    }
    %scan3A_13 = arith.constant 40 : i32
    %mul3A = arith.constant 640 : i32
    %mul3A_14 = arith.muli %arg1, %mul3A : i32
    %add3A = arith.constant 0 : i32
    %add3A_15 = arith.addi %mul3A_14, %add3A : i32
    "tpu.region"() ({
      %run_scoped3A = tpu.sem_alloc : memref<!tpu.dma_semaphore, #tpu.memory_space<semaphore_mem>>
      %dma_start3A = arith.constant 0 : i32
      %dma_start3A_60 = tpu.memref_slice %arg6[%add3A_15, %dma_start3A] : memref<10240x128xf32, #tpu.memory_space<vmem_shared>> -> memref<128x128xf32, #tpu.memory_space<vmem_shared>>
      %dma_start3A_61 = arith.constant 0 : i32
      %dma_start3A_62 = tpu.memref_slice %arg6[%add3A_15, %dma_start3A_61] : memref<10240x128xf32, #tpu.memory_space<vmem_shared>> -> memref<128x128xf32, #tpu.memory_space<vmem_shared>>
      tpu.enqueue_dma source(%arg8 : memref<128x128xf32, #tpu.memory_space<vmem>>) target(%dma_start3A_62 : memref<128x128xf32, #tpu.memory_space<vmem_shared>>) target_semaphore(%run_scoped3A : memref<!tpu.dma_semaphore, #tpu.memory_space<semaphore_mem>>)
      %dma_wait3A = arith.constant 0 : i32
      %dma_wait3A_63 = tpu.memref_slice %arg6[%add3A_15, %dma_wait3A] : memref<10240x128xf32, #tpu.memory_space<vmem_shared>> -> memref<128x128xf32, #tpu.memory_space<vmem_shared>>
      %dma_wait3A_64 = arith.constant 0 : i32
      %dma_wait3A_65 = tpu.memref_slice %arg6[%add3A_15, %dma_wait3A_64] : memref<10240x128xf32, #tpu.memory_space<vmem_shared>> -> memref<128x128xf32, #tpu.memory_space<vmem_shared>>
      tpu.wait_dma2 semaphore(%run_scoped3A : memref<!tpu.dma_semaphore, #tpu.memory_space<semaphore_mem>>) src(%arg8 : memref<128x128xf32, #tpu.memory_space<vmem>>) dst(%dma_wait3A_65 : memref<128x128xf32, #tpu.memory_space<vmem_shared>>)
      tpu.yield
    }) : () -> ()
    %mul3A_16 = arith.constant 640 : i32
    %mul3A_17 = arith.muli %arg1, %mul3A_16 : i32
    %add3A_18 = arith.constant 128 : i32
    %add3A_19 = arith.addi %mul3A_17, %add3A_18 : i32
    "tpu.region"() ({
      %run_scoped3A = tpu.sem_alloc : memref<!tpu.dma_semaphore, #tpu.memory_space<semaphore_mem>>
      %dma_start3A = arith.constant 0 : i32
      %dma_start3A_60 = tpu.memref_slice %arg6[%add3A_19, %dma_start3A] : memref<10240x128xf32, #tpu.memory_space<vmem_shared>> -> memref<128x128xf32, #tpu.memory_space<vmem_shared>>
      %dma_start3A_61 = arith.constant 0 : i32
      %dma_start3A_62 = tpu.memref_slice %arg6[%add3A_19, %dma_start3A_61] : memref<10240x128xf32, #tpu.memory_space<vmem_shared>> -> memref<128x128xf32, #tpu.memory_space<vmem_shared>>
      tpu.enqueue_dma source(%arg8 : memref<128x128xf32, #tpu.memory_space<vmem>>) target(%dma_start3A_62 : memref<128x128xf32, #tpu.memory_space<vmem_shared>>) target_semaphore(%run_scoped3A : memref<!tpu.dma_semaphore, #tpu.memory_space<semaphore_mem>>)
      %dma_wait3A = arith.constant 0 : i32
      %dma_wait3A_63 = tpu.memref_slice %arg6[%add3A_19, %dma_wait3A] : memref<10240x128xf32, #tpu.memory_space<vmem_shared>> -> memref<128x128xf32, #tpu.memory_space<vmem_shared>>
      %dma_wait3A_64 = arith.constant 0 : i32
      %dma_wait3A_65 = tpu.memref_slice %arg6[%add3A_19, %dma_wait3A_64] : memref<10240x128xf32, #tpu.memory_space<vmem_shared>> -> memref<128x128xf32, #tpu.memory_space<vmem_shared>>
      tpu.wait_dma2 semaphore(%run_scoped3A : memref<!tpu.dma_semaphore, #tpu.memory_space<semaphore_mem>>) src(%arg8 : memref<128x128xf32, #tpu.memory_space<vmem>>) dst(%dma_wait3A_65 : memref<128x128xf32, #tpu.memory_space<vmem_shared>>)
      tpu.yield
    }) : () -> ()
    %mul3A_20 = arith.constant 640 : i32
    %mul3A_21 = arith.muli %arg1, %mul3A_20 : i32
    %add3A_22 = arith.constant 256 : i32
    %add3A_23 = arith.addi %mul3A_21, %add3A_22 : i32
    "tpu.region"() ({
      %run_scoped3A = tpu.sem_alloc : memref<!tpu.dma_semaphore, #tpu.memory_space<semaphore_mem>>
      %dma_start3A = arith.constant 0 : i32
      %dma_start3A_60 = tpu.memref_slice %arg6[%add3A_23, %dma_start3A] : memref<10240x128xf32, #tpu.memory_space<vmem_shared>> -> memref<128x128xf32, #tpu.memory_space<vmem_shared>>
      %dma_start3A_61 = arith.constant 0 : i32
      %dma_start3A_62 = tpu.memref_slice %arg6[%add3A_23, %dma_start3A_61] : memref<10240x128xf32, #tpu.memory_space<vmem_shared>> -> memref<128x128xf32, #tpu.memory_space<vmem_shared>>
      tpu.enqueue_dma source(%arg8 : memref<128x128xf32, #tpu.memory_space<vmem>>) target(%dma_start3A_62 : memref<128x128xf32, #tpu.memory_space<vmem_shared>>) target_semaphore(%run_scoped3A : memref<!tpu.dma_semaphore, #tpu.memory_space<semaphore_mem>>)
      %dma_wait3A = arith.constant 0 : i32
      %dma_wait3A_63 = tpu.memref_slice %arg6[%add3A_23, %dma_wait3A] : memref<10240x128xf32, #tpu.memory_space<vmem_shared>> -> memref<128x128xf32, #tpu.memory_space<vmem_shared>>
      %dma_wait3A_64 = arith.constant 0 : i32
      %dma_wait3A_65 = tpu.memref_slice %arg6[%add3A_23, %dma_wait3A_64] : memref<10240x128xf32, #tpu.memory_space<vmem_shared>> -> memref<128x128xf32, #tpu.memory_space<vmem_shared>>
      tpu.wait_dma2 semaphore(%run_scoped3A : memref<!tpu.dma_semaphore, #tpu.memory_space<semaphore_mem>>) src(%arg8 : memref<128x128xf32, #tpu.memory_space<vmem>>) dst(%dma_wait3A_65 : memref<128x128xf32, #tpu.memory_space<vmem_shared>>)
      tpu.yield
    }) : () -> ()
    %mul3A_24 = arith.constant 640 : i32
    %mul3A_25 = arith.muli %arg1, %mul3A_24 : i32
    %add3A_26 = arith.constant 384 : i32
    %add3A_27 = arith.addi %mul3A_25, %add3A_26 : i32
    "tpu.region"() ({
      %run_scoped3A = tpu.sem_alloc : memref<!tpu.dma_semaphore, #tpu.memory_space<semaphore_mem>>
      %dma_start3A = arith.constant 0 : i32
      %dma_start3A_60 = tpu.memref_slice %arg6[%add3A_27, %dma_start3A] : memref<10240x128xf32, #tpu.memory_space<vmem_shared>> -> memref<128x128xf32, #tpu.memory_space<vmem_shared>>
      %dma_start3A_61 = arith.constant 0 : i32
      %dma_start3A_62 = tpu.memref_slice %arg6[%add3A_27, %dma_start3A_61] : memref<10240x128xf32, #tpu.memory_space<vmem_shared>> -> memref<128x128xf32, #tpu.memory_space<vmem_shared>>
      tpu.enqueue_dma source(%arg8 : memref<128x128xf32, #tpu.memory_space<vmem>>) target(%dma_start3A_62 : memref<128x128xf32, #tpu.memory_space<vmem_shared>>) target_semaphore(%run_scoped3A : memref<!tpu.dma_semaphore, #tpu.memory_space<semaphore_mem>>)
      %dma_wait3A = arith.constant 0 : i32
      %dma_wait3A_63 = tpu.memref_slice %arg6[%add3A_27, %dma_wait3A] : memref<10240x128xf32, #tpu.memory_space<vmem_shared>> -> memref<128x128xf32, #tpu.memory_space<vmem_shared>>
      %dma_wait3A_64 = arith.constant 0 : i32
      %dma_wait3A_65 = tpu.memref_slice %arg6[%add3A_27, %dma_wait3A_64] : memref<10240x128xf32, #tpu.memory_space<vmem_shared>> -> memref<128x128xf32, #tpu.memory_space<vmem_shared>>
      tpu.wait_dma2 semaphore(%run_scoped3A : memref<!tpu.dma_semaphore, #tpu.memory_space<semaphore_mem>>) src(%arg8 : memref<128x128xf32, #tpu.memory_space<vmem>>) dst(%dma_wait3A_65 : memref<128x128xf32, #tpu.memory_space<vmem_shared>>)
      tpu.yield
    }) : () -> ()
    %mul3A_28 = arith.constant 640 : i32
    %mul3A_29 = arith.muli %arg1, %mul3A_28 : i32
    %add3A_30 = arith.constant 512 : i32
    %add3A_31 = arith.addi %mul3A_29, %add3A_30 : i32
    "tpu.region"() ({
      %run_scoped3A = tpu.sem_alloc : memref<!tpu.dma_semaphore, #tpu.memory_space<semaphore_mem>>
      %dma_start3A = arith.constant 0 : i32
      %dma_start3A_60 = tpu.memref_slice %arg6[%add3A_31, %dma_start3A] : memref<10240x128xf32, #tpu.memory_space<vmem_shared>> -> memref<128x128xf32, #tpu.memory_space<vmem_shared>>
      %dma_start3A_61 = arith.constant 0 : i32
      %dma_start3A_62 = tpu.memref_slice %arg6[%add3A_31, %dma_start3A_61] : memref<10240x128xf32, #tpu.memory_space<vmem_shared>> -> memref<128x128xf32, #tpu.memory_space<vmem_shared>>
      tpu.enqueue_dma source(%arg8 : memref<128x128xf32, #tpu.memory_space<vmem>>) target(%dma_start3A_62 : memref<128x128xf32, #tpu.memory_space<vmem_shared>>) target_semaphore(%run_scoped3A : memref<!tpu.dma_semaphore, #tpu.memory_space<semaphore_mem>>)
      %dma_wait3A = arith.constant 0 : i32
      %dma_wait3A_63 = tpu.memref_slice %arg6[%add3A_31, %dma_wait3A] : memref<10240x128xf32, #tpu.memory_space<vmem_shared>> -> memref<128x128xf32, #tpu.memory_space<vmem_shared>>
      %dma_wait3A_64 = arith.constant 0 : i32
      %dma_wait3A_65 = tpu.memref_slice %arg6[%add3A_31, %dma_wait3A_64] : memref<10240x128xf32, #tpu.memory_space<vmem_shared>> -> memref<128x128xf32, #tpu.memory_space<vmem_shared>>
      tpu.wait_dma2 semaphore(%run_scoped3A : memref<!tpu.dma_semaphore, #tpu.memory_space<semaphore_mem>>) src(%arg8 : memref<128x128xf32, #tpu.memory_space<vmem>>) dst(%dma_wait3A_65 : memref<128x128xf32, #tpu.memory_space<vmem_shared>>)
      tpu.yield
    }) : () -> ()
    %mul3A_32 = arith.constant 640 : i32
    %mul3A_33 = arith.muli %arg1, %mul3A_32 : i32
    "tpu.region"() ({
      %run_scoped3A = tpu.sem_alloc : memref<!tpu.dma_semaphore, #tpu.memory_space<semaphore_mem>>
      %dma_start3A = tpu.memref_slice %arg7[%mul3A_33] : memref<10240xf32, #tpu.memory_space<vmem_shared>> -> memref<640xf32, #tpu.memory_space<vmem_shared>>
      %dma_start3A_60 = tpu.memref_slice %arg7[%mul3A_33] : memref<10240xf32, #tpu.memory_space<vmem_shared>> -> memref<640xf32, #tpu.memory_space<vmem_shared>>
      tpu.enqueue_dma source(%arg12 : memref<640xf32, #tpu.memory_space<vmem>>) target(%dma_start3A_60 : memref<640xf32, #tpu.memory_space<vmem_shared>>) target_semaphore(%run_scoped3A : memref<!tpu.dma_semaphore, #tpu.memory_space<semaphore_mem>>)
      %dma_wait3A = tpu.memref_slice %arg7[%mul3A_33] : memref<10240xf32, #tpu.memory_space<vmem_shared>> -> memref<640xf32, #tpu.memory_space<vmem_shared>>
      %dma_wait3A_61 = tpu.memref_slice %arg7[%mul3A_33] : memref<10240xf32, #tpu.memory_space<vmem_shared>> -> memref<640xf32, #tpu.memory_space<vmem_shared>>
      tpu.wait_dma2 semaphore(%run_scoped3A : memref<!tpu.dma_semaphore, #tpu.memory_space<semaphore_mem>>) src(%arg12 : memref<640xf32, #tpu.memory_space<vmem>>) dst(%dma_wait3A_61 : memref<640xf32, #tpu.memory_space<vmem_shared>>)
      tpu.yield
    }) : () -> ()
    %barrier3A = arith.constant 0 : index
    tpu.barrier barrier_id(%barrier3A)
    %eq3A = arith.constant 0 : i32
    %eq3A_34 = arith.cmpi eq, %arg0, %eq3A : i32
    %jit3A = arith.constant 103 : i32
    %jit3A_35 = arith.constant 55 : i32
    %select_n3A = arith.select %eq3A_34, %jit3A, %jit3A_35 : i32
    %eq3A_36 = arith.constant 0 : i32
    %eq3A_37 = arith.cmpi eq, %arg0, %eq3A_36 : i32
    %mul3A_38 = arith.constant 103 : i32
    %mul3A_39 = arith.muli %arg1, %mul3A_38 : i32
    %mul3A_40 = arith.constant 55 : i32
    %mul3A_41 = arith.muli %arg1, %mul3A_40 : i32
    %add3A_42 = arith.constant 1648 : i32
    %add3A_43 = arith.addi %add3A_42, %mul3A_41 : i32
    %select_n3A_44 = arith.select %eq3A_37, %mul3A_39, %add3A_43 : i32
    %mul3A_45 = arith.constant 128 : i32
    %mul3A_46 = arith.muli %select_n3A_44, %mul3A_45 : i32
    %scan3A_47 = arith.constant 0 : i32
    %scan3A_48 = arith.constant 0 : i32
    %scan3A_49 = arith.constant 103 : i32
    %scan3A_50 = arith.addi %scan3A_48, %scan3A_49 : i32
    %scan3A_51 = arith.constant 1 : i32
    %scan3A_52 = scf.for %scan3A_60 = %scan3A_48 to %scan3A_50 step %scan3A_51 iter_args(%scan3A_61 = %scan3A_47) -> (i32)  : i32 {
      %lt3A = arith.cmpi slt, %scan3A_60, %select_n3A : i32
      %convert_element_type3A = arith.extui %lt3A : i1 to i32
      %cond3A = arith.constant 0 : i32
      %cond3A_62 = arith.cmpi ne, %convert_element_type3A, %cond3A : i32
      scf.if %cond3A_62 {
        %mul3A_64 = arith.constant 128 : i32
        %mul3A_65 = arith.muli %scan3A_60, %mul3A_64 : i32
        %add3A_66 = arith.addi %mul3A_46, %mul3A_65 : i32
        %multiple_of3A = tpu.assume_multiple %add3A_66, 8 : i32
        "tpu.region"() ({
          %run_scoped3A = tpu.sem_alloc : memref<!tpu.dma_semaphore, #tpu.memory_space<semaphore_mem>>
          %dma_start3A_71 = tpu.memref_slice %arg3[%multiple_of3A] : memref<323584xi32, #tpu.memory_space<hbm>> -> memref<128xi32, #tpu.memory_space<hbm>>
          %dma_start3A_72 = tpu.memref_slice %arg3[%multiple_of3A] : memref<323584xi32, #tpu.memory_space<hbm>> -> memref<128xi32, #tpu.memory_space<hbm>>
          tpu.enqueue_dma source(%dma_start3A_72 : memref<128xi32, #tpu.memory_space<hbm>>) target(%arg9 : memref<128xi32, #tpu.memory_space<vmem>>) target_semaphore(%run_scoped3A : memref<!tpu.dma_semaphore, #tpu.memory_space<semaphore_mem>>)
          %dma_wait3A_73 = tpu.memref_slice %arg3[%multiple_of3A] : memref<323584xi32, #tpu.memory_space<hbm>> -> memref<128xi32, #tpu.memory_space<hbm>>
          %dma_wait3A_74 = tpu.memref_slice %arg3[%multiple_of3A] : memref<323584xi32, #tpu.memory_space<hbm>> -> memref<128xi32, #tpu.memory_space<hbm>>
          tpu.wait_dma2 semaphore(%run_scoped3A : memref<!tpu.dma_semaphore, #tpu.memory_space<semaphore_mem>>) src(%dma_wait3A_74 : memref<128xi32, #tpu.memory_space<hbm>>) dst(%arg9 : memref<128xi32, #tpu.memory_space<vmem>>)
          tpu.yield
        }) : () -> ()
        "tpu.region"() ({
          %run_scoped3A = tpu.sem_alloc : memref<!tpu.dma_semaphore, #tpu.memory_space<semaphore_mem>>
          %dma_start3A_71 = tpu.memref_slice %arg4[%multiple_of3A] : memref<323584xi32, #tpu.memory_space<hbm>> -> memref<128xi32, #tpu.memory_space<hbm>>
          %dma_start3A_72 = tpu.memref_slice %arg4[%multiple_of3A] : memref<323584xi32, #tpu.memory_space<hbm>> -> memref<128xi32, #tpu.memory_space<hbm>>
          tpu.enqueue_dma source(%dma_start3A_72 : memref<128xi32, #tpu.memory_space<hbm>>) target(%arg10 : memref<128xi32, #tpu.memory_space<vmem>>) target_semaphore(%run_scoped3A : memref<!tpu.dma_semaphore, #tpu.memory_space<semaphore_mem>>)
          %dma_wait3A_73 = tpu.memref_slice %arg4[%multiple_of3A] : memref<323584xi32, #tpu.memory_space<hbm>> -> memref<128xi32, #tpu.memory_space<hbm>>
          %dma_wait3A_74 = tpu.memref_slice %arg4[%multiple_of3A] : memref<323584xi32, #tpu.memory_space<hbm>> -> memref<128xi32, #tpu.memory_space<hbm>>
          tpu.wait_dma2 semaphore(%run_scoped3A : memref<!tpu.dma_semaphore, #tpu.memory_space<semaphore_mem>>) src(%dma_wait3A_74 : memref<128xi32, #tpu.memory_space<hbm>>) dst(%arg10 : memref<128xi32, #tpu.memory_space<vmem>>)
          tpu.yield
        }) : () -> ()
        %dma_start3A = arith.constant 0 : i32
        %dma_start3A_67 = arith.constant 0 : i32
        %dma_start3A_68 = tpu.memref_slice %arg2[%dma_start3A, %dma_start3A_67] : memref<10000x128xf32, #tpu.memory_space<hbm>> -> memref<10000x128xf32, #tpu.memory_space<hbm>>
        tpu.enqueue_indirect_dma source(%dma_start3A_68 : memref<10000x128xf32, #tpu.memory_space<hbm>>) target(%arg8 : memref<128x128xf32, #tpu.memory_space<vmem>>) offsets(%arg9 : memref<128xi32, #tpu.memory_space<vmem>>) semaphore(%arg13 : memref<!tpu.dma_semaphore, #tpu.memory_space<semaphore_mem>>)
        %dma_wait3A = arith.constant 0 : i32
        %dma_wait3A_69 = arith.constant 0 : i32
        %dma_wait3A_70 = tpu.memref_slice %arg2[%dma_wait3A, %dma_wait3A_69] : memref<10000x128xf32, #tpu.memory_space<hbm>> -> memref<10000x128xf32, #tpu.memory_space<hbm>>
        tpu.wait_indirect_dma semaphore(%arg13 : memref<!tpu.dma_semaphore, #tpu.memory_space<semaphore_mem>>) src(%dma_wait3A_70 : memref<10000x128xf32, #tpu.memory_space<hbm>>) dst(%arg8 : memref<128x128xf32, #tpu.memory_space<vmem>>)
        "tpu.region"() ({
          %run_scoped3A = tpu.sem_alloc : memref<!tpu.dma_semaphore, #tpu.memory_space<semaphore_mem>>
          %dma_start3A_71 = arith.constant 0 : i32
          %dma_start3A_72 = arith.constant 0 : i32
          %dma_start3A_73 = tpu.memref_slice %arg6[%dma_start3A_71, %dma_start3A_72] : memref<10240x128xf32, #tpu.memory_space<vmem_shared>> -> memref<10240x128xf32, #tpu.memory_space<vmem_shared>>
          tpu.enqueue_indirect_dma source(%arg8 : memref<128x128xf32, #tpu.memory_space<vmem>>) target(%dma_start3A_73 : memref<10240x128xf32, #tpu.memory_space<vmem_shared>>) offsets(%arg10 : memref<128xi32, #tpu.memory_space<vmem>>) semaphore(%run_scoped3A : memref<!tpu.dma_semaphore, #tpu.memory_space<semaphore_mem>>) {add = true}
          %dma_wait3A_74 = arith.constant 0 : i32
          %dma_wait3A_75 = arith.constant 0 : i32
          %dma_wait3A_76 = tpu.memref_slice %arg6[%dma_wait3A_74, %dma_wait3A_75] : memref<10240x128xf32, #tpu.memory_space<vmem_shared>> -> memref<10240x128xf32, #tpu.memory_space<vmem_shared>>
          tpu.wait_indirect_dma semaphore(%run_scoped3A : memref<!tpu.dma_semaphore, #tpu.memory_space<semaphore_mem>>) src(%arg8 : memref<128x128xf32, #tpu.memory_space<vmem>>) dst(%dma_wait3A_76 : memref<10240x128xf32, #tpu.memory_space<vmem_shared>>)
          tpu.yield
        }) : () -> ()
      } else {
      }
      %scan3A_63 = arith.constant 0 : i32
      scf.yield %scan3A_63 : i32
    }
    %scan3A_53 = arith.constant 103 : i32
    %barrier3A_54 = arith.constant 0 : index
    tpu.barrier barrier_id(%barrier3A_54)
    %mul3A_55 = arith.constant 640 : i32
    %mul3A_56 = arith.muli %arg1, %mul3A_55 : i32
    %mul3A_57 = arith.constant 10240 : i32
    %mul3A_58 = arith.muli %arg0, %mul3A_57 : i32
    %add3A_59 = arith.addi %mul3A_58, %mul3A_56 : i32
    "tpu.region"() ({
      %run_scoped3A = tpu.sem_alloc : memref<!tpu.dma_semaphore, #tpu.memory_space<semaphore_mem>>
      %dma_start3A = arith.constant 0 : i32
      %dma_start3A_60 = tpu.memref_slice %arg5[%add3A_59, %dma_start3A] : memref<20480x128xf32, #tpu.memory_space<hbm>> -> memref<640x128xf32, #tpu.memory_space<hbm>>
      %dma_start3A_61 = arith.constant 0 : i32
      %dma_start3A_62 = tpu.memref_slice %arg6[%mul3A_56, %dma_start3A_61] : memref<10240x128xf32, #tpu.memory_space<vmem_shared>> -> memref<640x128xf32, #tpu.memory_space<vmem_shared>>
      tpu.enqueue_dma source(%dma_start3A_62 : memref<640x128xf32, #tpu.memory_space<vmem_shared>>) target(%dma_start3A_60 : memref<640x128xf32, #tpu.memory_space<hbm>>) target_semaphore(%run_scoped3A : memref<!tpu.dma_semaphore, #tpu.memory_space<semaphore_mem>>)
      %dma_wait3A = arith.constant 0 : i32
      %dma_wait3A_63 = tpu.memref_slice %arg5[%add3A_59, %dma_wait3A] : memref<20480x128xf32, #tpu.memory_space<hbm>> -> memref<640x128xf32, #tpu.memory_space<hbm>>
      %dma_wait3A_64 = arith.constant 0 : i32
      %dma_wait3A_65 = tpu.memref_slice %arg6[%mul3A_56, %dma_wait3A_64] : memref<10240x128xf32, #tpu.memory_space<vmem_shared>> -> memref<640x128xf32, #tpu.memory_space<vmem_shared>>
      tpu.wait_dma2 semaphore(%run_scoped3A : memref<!tpu.dma_semaphore, #tpu.memory_space<semaphore_mem>>) src(%dma_wait3A_65 : memref<640x128xf32, #tpu.memory_space<vmem_shared>>) dst(%dma_wait3A_63 : memref<640x128xf32, #tpu.memory_space<hbm>>)
      tpu.yield
    }) : () -> ()
    return
  }
}

#map = affine_map<(d0, d1) -> (0, 0)>
#map1 = affine_map<(d0, d1) -> (0)>
module attributes {stable_mosaic.version = 14 : i64} {
  func.func @_sc_body(%arg0: i32, %arg1: i32, %arg2: memref<10000x128xf32, #tpu.memory_space<hbm>>, %arg3: memref<323584xi32, #tpu.memory_space<hbm>>, %arg4: memref<323584xi32, #tpu.memory_space<hbm>>, %arg5: memref<20480x128xf32, #tpu.memory_space<hbm>>, %arg6: memref<10240xf32, #tpu.memory_space<hbm>>, %arg7: memref<10240xf32, #tpu.memory_space<hbm>>, %arg8: memref<10240x128xf32, #tpu.memory_space<vmem_shared>>, %arg9: memref<10240xf32, #tpu.memory_space<vmem_shared>>, %arg10: memref<128x128xf32, #tpu.memory_space<vmem>>, %arg11: memref<128xi32, #tpu.memory_space<vmem>>, %arg12: memref<128xi32, #tpu.memory_space<vmem>>, %arg13: memref<128xf32, #tpu.memory_space<vmem>>, %arg14: memref<640xf32, #tpu.memory_space<vmem>>, %arg15: memref<!tpu.dma_semaphore, #tpu.memory_space<semaphore_mem>>) attributes {dimension_semantics = [#tpu.dimension_semantics<core_parallel>, #tpu.dimension_semantics<subcore_parallel>], iteration_bounds = array<i64: 2, 16>, scalar_prefetch = 0 : i64, scratch_operands = 8 : i64, tpu.core_type = #tpu.core_type<sc_vector_subcore>, window_params = [{transform_indices = #map}, {transform_indices = #map1}, {transform_indices = #map1}, {transform_indices = #map}, {transform_indices = #map1}, {transform_indices = #map1}]} {
    %broadcast_in_dim3A = arith.constant 0.000000e+00 : f32
    %broadcast_in_dim3A_0 = vector.broadcast %broadcast_in_dim3A : f32 to vector<16xf32>
    %scan3A = arith.constant 0 : i32
    %scan3A_1 = arith.constant 0 : i32
    %scan3A_2 = arith.constant 128 : i32
    %scan3A_3 = arith.addi %scan3A_1, %scan3A_2 : i32
    %scan3A_4 = arith.constant 1 : i32
    %scan3A_5 = scf.for %scan3A_77 = %scan3A_1 to %scan3A_3 step %scan3A_4 iter_args(%scan3A_78 = %scan3A) -> (i32)  : i32 {
      %swap3A = arith.index_cast %scan3A_77 : i32 to index
      %swap3A_79 = arith.constant 0 : index
      %swap3A_80 = tpu.vector_load %arg10[%swap3A, %swap3A_79] {strides = array<i32>} : memref<128x128xf32, #tpu.memory_space<vmem>>, vector<1x16xf32>,
      %swap3A_81 = vector.shape_cast %swap3A_80 : vector<1x16xf32> to vector<16xf32>
      %swap3A_82 = vector.shape_cast %broadcast_in_dim3A_0 : vector<16xf32> to vector<1x16xf32>
      tpu.vector_store %arg10[%swap3A, %swap3A_79], %swap3A_82 {strides = array<i32>} : memref<128x128xf32, #tpu.memory_space<vmem>>, vector<1x16xf32>,
      %swap3A_83 = arith.index_cast %scan3A_77 : i32 to index
      %swap3A_84 = arith.constant 16 : index
      %swap3A_85 = tpu.vector_load %arg10[%swap3A_83, %swap3A_84] {strides = array<i32>} : memref<128x128xf32, #tpu.memory_space<vmem>>, vector<1x16xf32>,
      %swap3A_86 = vector.shape_cast %swap3A_85 : vector<1x16xf32> to vector<16xf32>
      %swap3A_87 = vector.shape_cast %broadcast_in_dim3A_0 : vector<16xf32> to vector<1x16xf32>
      tpu.vector_store %arg10[%swap3A_83, %swap3A_84], %swap3A_87 {strides = array<i32>} : memref<128x128xf32, #tpu.memory_space<vmem>>, vector<1x16xf32>,
      %swap3A_88 = arith.index_cast %scan3A_77 : i32 to index
      %swap3A_89 = arith.constant 32 : index
      %swap3A_90 = tpu.vector_load %arg10[%swap3A_88, %swap3A_89] {strides = array<i32>} : memref<128x128xf32, #tpu.memory_space<vmem>>, vector<1x16xf32>,
      %swap3A_91 = vector.shape_cast %swap3A_90 : vector<1x16xf32> to vector<16xf32>
      %swap3A_92 = vector.shape_cast %broadcast_in_dim3A_0 : vector<16xf32> to vector<1x16xf32>
      tpu.vector_store %arg10[%swap3A_88, %swap3A_89], %swap3A_92 {strides = array<i32>} : memref<128x128xf32, #tpu.memory_space<vmem>>, vector<1x16xf32>,
      %swap3A_93 = arith.index_cast %scan3A_77 : i32 to index
      %swap3A_94 = arith.constant 48 : index
      %swap3A_95 = tpu.vector_load %arg10[%swap3A_93, %swap3A_94] {strides = array<i32>} : memref<128x128xf32, #tpu.memory_space<vmem>>, vector<1x16xf32>,
      %swap3A_96 = vector.shape_cast %swap3A_95 : vector<1x16xf32> to vector<16xf32>
      %swap3A_97 = vector.shape_cast %broadcast_in_dim3A_0 : vector<16xf32> to vector<1x16xf32>
      tpu.vector_store %arg10[%swap3A_93, %swap3A_94], %swap3A_97 {strides = array<i32>} : memref<128x128xf32, #tpu.memory_space<vmem>>, vector<1x16xf32>,
      %swap3A_98 = arith.index_cast %scan3A_77 : i32 to index
      %swap3A_99 = arith.constant 64 : index
      %swap3A_100 = tpu.vector_load %arg10[%swap3A_98, %swap3A_99] {strides = array<i32>} : memref<128x128xf32, #tpu.memory_space<vmem>>, vector<1x16xf32>,
      %swap3A_101 = vector.shape_cast %swap3A_100 : vector<1x16xf32> to vector<16xf32>
      %swap3A_102 = vector.shape_cast %broadcast_in_dim3A_0 : vector<16xf32> to vector<1x16xf32>
      tpu.vector_store %arg10[%swap3A_98, %swap3A_99], %swap3A_102 {strides = array<i32>} : memref<128x128xf32, #tpu.memory_space<vmem>>, vector<1x16xf32>,
      %swap3A_103 = arith.index_cast %scan3A_77 : i32 to index
      %swap3A_104 = arith.constant 80 : index
      %swap3A_105 = tpu.vector_load %arg10[%swap3A_103, %swap3A_104] {strides = array<i32>} : memref<128x128xf32, #tpu.memory_space<vmem>>, vector<1x16xf32>,
      %swap3A_106 = vector.shape_cast %swap3A_105 : vector<1x16xf32> to vector<16xf32>
      %swap3A_107 = vector.shape_cast %broadcast_in_dim3A_0 : vector<16xf32> to vector<1x16xf32>
      tpu.vector_store %arg10[%swap3A_103, %swap3A_104], %swap3A_107 {strides = array<i32>} : memref<128x128xf32, #tpu.memory_space<vmem>>, vector<1x16xf32>,
      %swap3A_108 = arith.index_cast %scan3A_77 : i32 to index
      %swap3A_109 = arith.constant 96 : index
      %swap3A_110 = tpu.vector_load %arg10[%swap3A_108, %swap3A_109] {strides = array<i32>} : memref<128x128xf32, #tpu.memory_space<vmem>>, vector<1x16xf32>,
      %swap3A_111 = vector.shape_cast %swap3A_110 : vector<1x16xf32> to vector<16xf32>
      %swap3A_112 = vector.shape_cast %broadcast_in_dim3A_0 : vector<16xf32> to vector<1x16xf32>
      tpu.vector_store %arg10[%swap3A_108, %swap3A_109], %swap3A_112 {strides = array<i32>} : memref<128x128xf32, #tpu.memory_space<vmem>>, vector<1x16xf32>,
      %swap3A_113 = arith.index_cast %scan3A_77 : i32 to index
      %swap3A_114 = arith.constant 112 : index
      %swap3A_115 = tpu.vector_load %arg10[%swap3A_113, %swap3A_114] {strides = array<i32>} : memref<128x128xf32, #tpu.memory_space<vmem>>, vector<1x16xf32>,
      %swap3A_116 = vector.shape_cast %swap3A_115 : vector<1x16xf32> to vector<16xf32>
      %swap3A_117 = vector.shape_cast %broadcast_in_dim3A_0 : vector<16xf32> to vector<1x16xf32>
      tpu.vector_store %arg10[%swap3A_113, %swap3A_114], %swap3A_117 {strides = array<i32>} : memref<128x128xf32, #tpu.memory_space<vmem>>, vector<1x16xf32>,
      %scan3A_118 = arith.constant 0 : i32
      scf.yield %scan3A_118 : i32
    }
    %scan3A_6 = arith.constant 128 : i32
    %scan3A_7 = arith.constant 0 : i32
    %scan3A_8 = arith.constant 0 : i32
    %scan3A_9 = arith.constant 40 : i32
    %scan3A_10 = arith.addi %scan3A_8, %scan3A_9 : i32
    %scan3A_11 = arith.constant 1 : i32
    %scan3A_12 = scf.for %scan3A_77 = %scan3A_8 to %scan3A_10 step %scan3A_11 iter_args(%scan3A_78 = %scan3A_7) -> (i32)  : i32 {
      %mul3A_79 = arith.constant 16 : i32
      %mul3A_80 = arith.muli %scan3A_77, %mul3A_79 : i32
      %multiple_of3A = tpu.assume_multiple %mul3A_80, 16 : i32
      %swap3A = arith.index_cast %multiple_of3A : i32 to index
      %swap3A_81 = tpu.vector_load %arg14[%swap3A] {strides = array<i32>} : memref<640xf32, #tpu.memory_space<vmem>>, vector<16xf32>,
      %swap3A_82 = vector.shape_cast %swap3A_81 : vector<16xf32> to vector<16xf32>
      %swap3A_83 = vector.shape_cast %broadcast_in_dim3A_0 : vector<16xf32> to vector<16xf32>
      tpu.vector_store %arg14[%swap3A], %swap3A_83 {strides = array<i32>} : memref<640xf32, #tpu.memory_space<vmem>>, vector<16xf32>,
      %scan3A_84 = arith.constant 0 : i32
      scf.yield %scan3A_84 : i32
    }
    %scan3A_13 = arith.constant 40 : i32
    %broadcast_in_dim3A_14 = arith.constant 1.000000e+00 : f32
    %broadcast_in_dim3A_15 = vector.broadcast %broadcast_in_dim3A_14 : f32 to vector<16xf32>
    %scan3A_16 = arith.constant 0 : i32
    %scan3A_17 = arith.constant 0 : i32
    %scan3A_18 = arith.constant 8 : i32
    %scan3A_19 = arith.addi %scan3A_17, %scan3A_18 : i32
    %scan3A_20 = arith.constant 1 : i32
    %scan3A_21 = scf.for %scan3A_77 = %scan3A_17 to %scan3A_19 step %scan3A_20 iter_args(%scan3A_78 = %scan3A_16) -> (i32)  : i32 {
      %mul3A_79 = arith.constant 16 : i32
      %mul3A_80 = arith.muli %scan3A_77, %mul3A_79 : i32
      %multiple_of3A = tpu.assume_multiple %mul3A_80, 16 : i32
      %swap3A = arith.index_cast %multiple_of3A : i32 to index
      %swap3A_81 = tpu.vector_load %arg13[%swap3A] {strides = array<i32>} : memref<128xf32, #tpu.memory_space<vmem>>, vector<16xf32>,
      %swap3A_82 = vector.shape_cast %swap3A_81 : vector<16xf32> to vector<16xf32>
      %swap3A_83 = vector.shape_cast %broadcast_in_dim3A_15 : vector<16xf32> to vector<16xf32>
      tpu.vector_store %arg13[%swap3A], %swap3A_83 {strides = array<i32>} : memref<128xf32, #tpu.memory_space<vmem>>, vector<16xf32>,
      %scan3A_84 = arith.constant 0 : i32
      scf.yield %scan3A_84 : i32
    }
    %scan3A_22 = arith.constant 8 : i32
    %mul3A = arith.constant 640 : i32
    %mul3A_23 = arith.muli %arg1, %mul3A : i32
    %add3A = arith.constant 0 : i32
    %add3A_24 = arith.addi %mul3A_23, %add3A : i32
    "tpu.region"() ({
      %run_scoped3A = tpu.sem_alloc : memref<!tpu.dma_semaphore, #tpu.memory_space<semaphore_mem>>
      %dma_start3A = arith.constant 0 : i32
      %dma_start3A_77 = tpu.memref_slice %arg8[%add3A_24, %dma_start3A] : memref<10240x128xf32, #tpu.memory_space<vmem_shared>> -> memref<128x128xf32, #tpu.memory_space<vmem_shared>>
      %dma_start3A_78 = arith.constant 0 : i32
      %dma_start3A_79 = tpu.memref_slice %arg8[%add3A_24, %dma_start3A_78] : memref<10240x128xf32, #tpu.memory_space<vmem_shared>> -> memref<128x128xf32, #tpu.memory_space<vmem_shared>>
      tpu.enqueue_dma source(%arg10 : memref<128x128xf32, #tpu.memory_space<vmem>>) target(%dma_start3A_79 : memref<128x128xf32, #tpu.memory_space<vmem_shared>>) target_semaphore(%run_scoped3A : memref<!tpu.dma_semaphore, #tpu.memory_space<semaphore_mem>>)
      %dma_wait3A = arith.constant 0 : i32
      %dma_wait3A_80 = tpu.memref_slice %arg8[%add3A_24, %dma_wait3A] : memref<10240x128xf32, #tpu.memory_space<vmem_shared>> -> memref<128x128xf32, #tpu.memory_space<vmem_shared>>
      %dma_wait3A_81 = arith.constant 0 : i32
      %dma_wait3A_82 = tpu.memref_slice %arg8[%add3A_24, %dma_wait3A_81] : memref<10240x128xf32, #tpu.memory_space<vmem_shared>> -> memref<128x128xf32, #tpu.memory_space<vmem_shared>>
      tpu.wait_dma2 semaphore(%run_scoped3A : memref<!tpu.dma_semaphore, #tpu.memory_space<semaphore_mem>>) src(%arg10 : memref<128x128xf32, #tpu.memory_space<vmem>>) dst(%dma_wait3A_82 : memref<128x128xf32, #tpu.memory_space<vmem_shared>>)
      tpu.yield
    }) : () -> ()
    %mul3A_25 = arith.constant 640 : i32
    %mul3A_26 = arith.muli %arg1, %mul3A_25 : i32
    %add3A_27 = arith.constant 128 : i32
    %add3A_28 = arith.addi %mul3A_26, %add3A_27 : i32
    "tpu.region"() ({
      %run_scoped3A = tpu.sem_alloc : memref<!tpu.dma_semaphore, #tpu.memory_space<semaphore_mem>>
      %dma_start3A = arith.constant 0 : i32
      %dma_start3A_77 = tpu.memref_slice %arg8[%add3A_28, %dma_start3A] : memref<10240x128xf32, #tpu.memory_space<vmem_shared>> -> memref<128x128xf32, #tpu.memory_space<vmem_shared>>
      %dma_start3A_78 = arith.constant 0 : i32
      %dma_start3A_79 = tpu.memref_slice %arg8[%add3A_28, %dma_start3A_78] : memref<10240x128xf32, #tpu.memory_space<vmem_shared>> -> memref<128x128xf32, #tpu.memory_space<vmem_shared>>
      tpu.enqueue_dma source(%arg10 : memref<128x128xf32, #tpu.memory_space<vmem>>) target(%dma_start3A_79 : memref<128x128xf32, #tpu.memory_space<vmem_shared>>) target_semaphore(%run_scoped3A : memref<!tpu.dma_semaphore, #tpu.memory_space<semaphore_mem>>)
      %dma_wait3A = arith.constant 0 : i32
      %dma_wait3A_80 = tpu.memref_slice %arg8[%add3A_28, %dma_wait3A] : memref<10240x128xf32, #tpu.memory_space<vmem_shared>> -> memref<128x128xf32, #tpu.memory_space<vmem_shared>>
      %dma_wait3A_81 = arith.constant 0 : i32
      %dma_wait3A_82 = tpu.memref_slice %arg8[%add3A_28, %dma_wait3A_81] : memref<10240x128xf32, #tpu.memory_space<vmem_shared>> -> memref<128x128xf32, #tpu.memory_space<vmem_shared>>
      tpu.wait_dma2 semaphore(%run_scoped3A : memref<!tpu.dma_semaphore, #tpu.memory_space<semaphore_mem>>) src(%arg10 : memref<128x128xf32, #tpu.memory_space<vmem>>) dst(%dma_wait3A_82 : memref<128x128xf32, #tpu.memory_space<vmem_shared>>)
      tpu.yield
    }) : () -> ()
    %mul3A_29 = arith.constant 640 : i32
    %mul3A_30 = arith.muli %arg1, %mul3A_29 : i32
    %add3A_31 = arith.constant 256 : i32
    %add3A_32 = arith.addi %mul3A_30, %add3A_31 : i32
    "tpu.region"() ({
      %run_scoped3A = tpu.sem_alloc : memref<!tpu.dma_semaphore, #tpu.memory_space<semaphore_mem>>
      %dma_start3A = arith.constant 0 : i32
      %dma_start3A_77 = tpu.memref_slice %arg8[%add3A_32, %dma_start3A] : memref<10240x128xf32, #tpu.memory_space<vmem_shared>> -> memref<128x128xf32, #tpu.memory_space<vmem_shared>>
      %dma_start3A_78 = arith.constant 0 : i32
      %dma_start3A_79 = tpu.memref_slice %arg8[%add3A_32, %dma_start3A_78] : memref<10240x128xf32, #tpu.memory_space<vmem_shared>> -> memref<128x128xf32, #tpu.memory_space<vmem_shared>>
      tpu.enqueue_dma source(%arg10 : memref<128x128xf32, #tpu.memory_space<vmem>>) target(%dma_start3A_79 : memref<128x128xf32, #tpu.memory_space<vmem_shared>>) target_semaphore(%run_scoped3A : memref<!tpu.dma_semaphore, #tpu.memory_space<semaphore_mem>>)
      %dma_wait3A = arith.constant 0 : i32
      %dma_wait3A_80 = tpu.memref_slice %arg8[%add3A_32, %dma_wait3A] : memref<10240x128xf32, #tpu.memory_space<vmem_shared>> -> memref<128x128xf32, #tpu.memory_space<vmem_shared>>
      %dma_wait3A_81 = arith.constant 0 : i32
      %dma_wait3A_82 = tpu.memref_slice %arg8[%add3A_32, %dma_wait3A_81] : memref<10240x128xf32, #tpu.memory_space<vmem_shared>> -> memref<128x128xf32, #tpu.memory_space<vmem_shared>>
      tpu.wait_dma2 semaphore(%run_scoped3A : memref<!tpu.dma_semaphore, #tpu.memory_space<semaphore_mem>>) src(%arg10 : memref<128x128xf32, #tpu.memory_space<vmem>>) dst(%dma_wait3A_82 : memref<128x128xf32, #tpu.memory_space<vmem_shared>>)
      tpu.yield
    }) : () -> ()
    %mul3A_33 = arith.constant 640 : i32
    %mul3A_34 = arith.muli %arg1, %mul3A_33 : i32
    %add3A_35 = arith.constant 384 : i32
    %add3A_36 = arith.addi %mul3A_34, %add3A_35 : i32
    "tpu.region"() ({
      %run_scoped3A = tpu.sem_alloc : memref<!tpu.dma_semaphore, #tpu.memory_space<semaphore_mem>>
      %dma_start3A = arith.constant 0 : i32
      %dma_start3A_77 = tpu.memref_slice %arg8[%add3A_36, %dma_start3A] : memref<10240x128xf32, #tpu.memory_space<vmem_shared>> -> memref<128x128xf32, #tpu.memory_space<vmem_shared>>
      %dma_start3A_78 = arith.constant 0 : i32
      %dma_start3A_79 = tpu.memref_slice %arg8[%add3A_36, %dma_start3A_78] : memref<10240x128xf32, #tpu.memory_space<vmem_shared>> -> memref<128x128xf32, #tpu.memory_space<vmem_shared>>
      tpu.enqueue_dma source(%arg10 : memref<128x128xf32, #tpu.memory_space<vmem>>) target(%dma_start3A_79 : memref<128x128xf32, #tpu.memory_space<vmem_shared>>) target_semaphore(%run_scoped3A : memref<!tpu.dma_semaphore, #tpu.memory_space<semaphore_mem>>)
      %dma_wait3A = arith.constant 0 : i32
      %dma_wait3A_80 = tpu.memref_slice %arg8[%add3A_36, %dma_wait3A] : memref<10240x128xf32, #tpu.memory_space<vmem_shared>> -> memref<128x128xf32, #tpu.memory_space<vmem_shared>>
      %dma_wait3A_81 = arith.constant 0 : i32
      %dma_wait3A_82 = tpu.memref_slice %arg8[%add3A_36, %dma_wait3A_81] : memref<10240x128xf32, #tpu.memory_space<vmem_shared>> -> memref<128x128xf32, #tpu.memory_space<vmem_shared>>
      tpu.wait_dma2 semaphore(%run_scoped3A : memref<!tpu.dma_semaphore, #tpu.memory_space<semaphore_mem>>) src(%arg10 : memref<128x128xf32, #tpu.memory_space<vmem>>) dst(%dma_wait3A_82 : memref<128x128xf32, #tpu.memory_space<vmem_shared>>)
      tpu.yield
    }) : () -> ()
    %mul3A_37 = arith.constant 640 : i32
    %mul3A_38 = arith.muli %arg1, %mul3A_37 : i32
    %add3A_39 = arith.constant 512 : i32
    %add3A_40 = arith.addi %mul3A_38, %add3A_39 : i32
    "tpu.region"() ({
      %run_scoped3A = tpu.sem_alloc : memref<!tpu.dma_semaphore, #tpu.memory_space<semaphore_mem>>
      %dma_start3A = arith.constant 0 : i32
      %dma_start3A_77 = tpu.memref_slice %arg8[%add3A_40, %dma_start3A] : memref<10240x128xf32, #tpu.memory_space<vmem_shared>> -> memref<128x128xf32, #tpu.memory_space<vmem_shared>>
      %dma_start3A_78 = arith.constant 0 : i32
      %dma_start3A_79 = tpu.memref_slice %arg8[%add3A_40, %dma_start3A_78] : memref<10240x128xf32, #tpu.memory_space<vmem_shared>> -> memref<128x128xf32, #tpu.memory_space<vmem_shared>>
      tpu.enqueue_dma source(%arg10 : memref<128x128xf32, #tpu.memory_space<vmem>>) target(%dma_start3A_79 : memref<128x128xf32, #tpu.memory_space<vmem_shared>>) target_semaphore(%run_scoped3A : memref<!tpu.dma_semaphore, #tpu.memory_space<semaphore_mem>>)
      %dma_wait3A = arith.constant 0 : i32
      %dma_wait3A_80 = tpu.memref_slice %arg8[%add3A_40, %dma_wait3A] : memref<10240x128xf32, #tpu.memory_space<vmem_shared>> -> memref<128x128xf32, #tpu.memory_space<vmem_shared>>
      %dma_wait3A_81 = arith.constant 0 : i32
      %dma_wait3A_82 = tpu.memref_slice %arg8[%add3A_40, %dma_wait3A_81] : memref<10240x128xf32, #tpu.memory_space<vmem_shared>> -> memref<128x128xf32, #tpu.memory_space<vmem_shared>>
      tpu.wait_dma2 semaphore(%run_scoped3A : memref<!tpu.dma_semaphore, #tpu.memory_space<semaphore_mem>>) src(%arg10 : memref<128x128xf32, #tpu.memory_space<vmem>>) dst(%dma_wait3A_82 : memref<128x128xf32, #tpu.memory_space<vmem_shared>>)
      tpu.yield
    }) : () -> ()
    %mul3A_41 = arith.constant 640 : i32
    %mul3A_42 = arith.muli %arg1, %mul3A_41 : i32
    "tpu.region"() ({
      %run_scoped3A = tpu.sem_alloc : memref<!tpu.dma_semaphore, #tpu.memory_space<semaphore_mem>>
      %dma_start3A = tpu.memref_slice %arg9[%mul3A_42] : memref<10240xf32, #tpu.memory_space<vmem_shared>> -> memref<640xf32, #tpu.memory_space<vmem_shared>>
      %dma_start3A_77 = tpu.memref_slice %arg9[%mul3A_42] : memref<10240xf32, #tpu.memory_space<vmem_shared>> -> memref<640xf32, #tpu.memory_space<vmem_shared>>
      tpu.enqueue_dma source(%arg14 : memref<640xf32, #tpu.memory_space<vmem>>) target(%dma_start3A_77 : memref<640xf32, #tpu.memory_space<vmem_shared>>) target_semaphore(%run_scoped3A : memref<!tpu.dma_semaphore, #tpu.memory_space<semaphore_mem>>)
      %dma_wait3A = tpu.memref_slice %arg9[%mul3A_42] : memref<10240xf32, #tpu.memory_space<vmem_shared>> -> memref<640xf32, #tpu.memory_space<vmem_shared>>
      %dma_wait3A_78 = tpu.memref_slice %arg9[%mul3A_42] : memref<10240xf32, #tpu.memory_space<vmem_shared>> -> memref<640xf32, #tpu.memory_space<vmem_shared>>
      tpu.wait_dma2 semaphore(%run_scoped3A : memref<!tpu.dma_semaphore, #tpu.memory_space<semaphore_mem>>) src(%arg14 : memref<640xf32, #tpu.memory_space<vmem>>) dst(%dma_wait3A_78 : memref<640xf32, #tpu.memory_space<vmem_shared>>)
      tpu.yield
    }) : () -> ()
    %barrier3A = arith.constant 0 : index
    tpu.barrier barrier_id(%barrier3A)
    %eq3A = arith.constant 0 : i32
    %eq3A_43 = arith.cmpi eq, %arg0, %eq3A : i32
    %jit3A = arith.constant 103 : i32
    %jit3A_44 = arith.constant 55 : i32
    %select_n3A = arith.select %eq3A_43, %jit3A, %jit3A_44 : i32
    %eq3A_45 = arith.constant 0 : i32
    %eq3A_46 = arith.cmpi eq, %arg0, %eq3A_45 : i32
    %mul3A_47 = arith.constant 103 : i32
    %mul3A_48 = arith.muli %arg1, %mul3A_47 : i32
    %mul3A_49 = arith.constant 55 : i32
    %mul3A_50 = arith.muli %arg1, %mul3A_49 : i32
    %add3A_51 = arith.constant 1648 : i32
    %add3A_52 = arith.addi %add3A_51, %mul3A_50 : i32
    %select_n3A_53 = arith.select %eq3A_46, %mul3A_48, %add3A_52 : i32
    %mul3A_54 = arith.constant 128 : i32
    %mul3A_55 = arith.muli %select_n3A_53, %mul3A_54 : i32
    %scan3A_56 = arith.constant 0 : i32
    %scan3A_57 = arith.constant 0 : i32
    %scan3A_58 = arith.constant 103 : i32
    %scan3A_59 = arith.addi %scan3A_57, %scan3A_58 : i32
    %scan3A_60 = arith.constant 1 : i32
    %scan3A_61 = scf.for %scan3A_77 = %scan3A_57 to %scan3A_59 step %scan3A_60 iter_args(%scan3A_78 = %scan3A_56) -> (i32)  : i32 {
      %lt3A = arith.cmpi slt, %scan3A_77, %select_n3A : i32
      %convert_element_type3A_79 = arith.extui %lt3A : i1 to i32
      %cond3A_80 = arith.constant 0 : i32
      %cond3A_81 = arith.cmpi ne, %convert_element_type3A_79, %cond3A_80 : i32
      scf.if %cond3A_81 {
        %mul3A_83 = arith.constant 128 : i32
        %mul3A_84 = arith.muli %scan3A_77, %mul3A_83 : i32
        %add3A_85 = arith.addi %mul3A_55, %mul3A_84 : i32
        %multiple_of3A = tpu.assume_multiple %add3A_85, 8 : i32
        "tpu.region"() ({
          %run_scoped3A = tpu.sem_alloc : memref<!tpu.dma_semaphore, #tpu.memory_space<semaphore_mem>>
          %dma_start3A_90 = tpu.memref_slice %arg3[%multiple_of3A] : memref<323584xi32, #tpu.memory_space<hbm>> -> memref<128xi32, #tpu.memory_space<hbm>>
          %dma_start3A_91 = tpu.memref_slice %arg3[%multiple_of3A] : memref<323584xi32, #tpu.memory_space<hbm>> -> memref<128xi32, #tpu.memory_space<hbm>>
          tpu.enqueue_dma source(%dma_start3A_91 : memref<128xi32, #tpu.memory_space<hbm>>) target(%arg11 : memref<128xi32, #tpu.memory_space<vmem>>) target_semaphore(%run_scoped3A : memref<!tpu.dma_semaphore, #tpu.memory_space<semaphore_mem>>)
          %dma_wait3A_92 = tpu.memref_slice %arg3[%multiple_of3A] : memref<323584xi32, #tpu.memory_space<hbm>> -> memref<128xi32, #tpu.memory_space<hbm>>
          %dma_wait3A_93 = tpu.memref_slice %arg3[%multiple_of3A] : memref<323584xi32, #tpu.memory_space<hbm>> -> memref<128xi32, #tpu.memory_space<hbm>>
          tpu.wait_dma2 semaphore(%run_scoped3A : memref<!tpu.dma_semaphore, #tpu.memory_space<semaphore_mem>>) src(%dma_wait3A_93 : memref<128xi32, #tpu.memory_space<hbm>>) dst(%arg11 : memref<128xi32, #tpu.memory_space<vmem>>)
          tpu.yield
        }) : () -> ()
        "tpu.region"() ({
          %run_scoped3A = tpu.sem_alloc : memref<!tpu.dma_semaphore, #tpu.memory_space<semaphore_mem>>
          %dma_start3A_90 = tpu.memref_slice %arg4[%multiple_of3A] : memref<323584xi32, #tpu.memory_space<hbm>> -> memref<128xi32, #tpu.memory_space<hbm>>
          %dma_start3A_91 = tpu.memref_slice %arg4[%multiple_of3A] : memref<323584xi32, #tpu.memory_space<hbm>> -> memref<128xi32, #tpu.memory_space<hbm>>
          tpu.enqueue_dma source(%dma_start3A_91 : memref<128xi32, #tpu.memory_space<hbm>>) target(%arg12 : memref<128xi32, #tpu.memory_space<vmem>>) target_semaphore(%run_scoped3A : memref<!tpu.dma_semaphore, #tpu.memory_space<semaphore_mem>>)
          %dma_wait3A_92 = tpu.memref_slice %arg4[%multiple_of3A] : memref<323584xi32, #tpu.memory_space<hbm>> -> memref<128xi32, #tpu.memory_space<hbm>>
          %dma_wait3A_93 = tpu.memref_slice %arg4[%multiple_of3A] : memref<323584xi32, #tpu.memory_space<hbm>> -> memref<128xi32, #tpu.memory_space<hbm>>
          tpu.wait_dma2 semaphore(%run_scoped3A : memref<!tpu.dma_semaphore, #tpu.memory_space<semaphore_mem>>) src(%dma_wait3A_93 : memref<128xi32, #tpu.memory_space<hbm>>) dst(%arg12 : memref<128xi32, #tpu.memory_space<vmem>>)
          tpu.yield
        }) : () -> ()
        %dma_start3A = arith.constant 0 : i32
        %dma_start3A_86 = arith.constant 0 : i32
        %dma_start3A_87 = tpu.memref_slice %arg2[%dma_start3A, %dma_start3A_86] : memref<10000x128xf32, #tpu.memory_space<hbm>> -> memref<10000x128xf32, #tpu.memory_space<hbm>>
        tpu.enqueue_indirect_dma source(%dma_start3A_87 : memref<10000x128xf32, #tpu.memory_space<hbm>>) target(%arg10 : memref<128x128xf32, #tpu.memory_space<vmem>>) offsets(%arg11 : memref<128xi32, #tpu.memory_space<vmem>>) semaphore(%arg15 : memref<!tpu.dma_semaphore, #tpu.memory_space<semaphore_mem>>)
        %dma_wait3A = arith.constant 0 : i32
        %dma_wait3A_88 = arith.constant 0 : i32
        %dma_wait3A_89 = tpu.memref_slice %arg2[%dma_wait3A, %dma_wait3A_88] : memref<10000x128xf32, #tpu.memory_space<hbm>> -> memref<10000x128xf32, #tpu.memory_space<hbm>>
        tpu.wait_indirect_dma semaphore(%arg15 : memref<!tpu.dma_semaphore, #tpu.memory_space<semaphore_mem>>) src(%dma_wait3A_89 : memref<10000x128xf32, #tpu.memory_space<hbm>>) dst(%arg10 : memref<128x128xf32, #tpu.memory_space<vmem>>)
        "tpu.region"() ({
          %run_scoped3A = tpu.sem_alloc : memref<!tpu.dma_semaphore, #tpu.memory_space<semaphore_mem>>
          %dma_start3A_90 = arith.constant 0 : i32
          %dma_start3A_91 = arith.constant 0 : i32
          %dma_start3A_92 = tpu.memref_slice %arg8[%dma_start3A_90, %dma_start3A_91] : memref<10240x128xf32, #tpu.memory_space<vmem_shared>> -> memref<10240x128xf32, #tpu.memory_space<vmem_shared>>
          tpu.enqueue_indirect_dma source(%arg10 : memref<128x128xf32, #tpu.memory_space<vmem>>) target(%dma_start3A_92 : memref<10240x128xf32, #tpu.memory_space<vmem_shared>>) offsets(%arg12 : memref<128xi32, #tpu.memory_space<vmem>>) semaphore(%run_scoped3A : memref<!tpu.dma_semaphore, #tpu.memory_space<semaphore_mem>>) {add = true}
          %dma_wait3A_93 = arith.constant 0 : i32
          %dma_wait3A_94 = arith.constant 0 : i32
          %dma_wait3A_95 = tpu.memref_slice %arg8[%dma_wait3A_93, %dma_wait3A_94] : memref<10240x128xf32, #tpu.memory_space<vmem_shared>> -> memref<10240x128xf32, #tpu.memory_space<vmem_shared>>
          tpu.wait_indirect_dma semaphore(%run_scoped3A : memref<!tpu.dma_semaphore, #tpu.memory_space<semaphore_mem>>) src(%arg10 : memref<128x128xf32, #tpu.memory_space<vmem>>) dst(%dma_wait3A_95 : memref<10240x128xf32, #tpu.memory_space<vmem_shared>>)
          tpu.yield
        }) : () -> ()
        "tpu.region"() ({
          %run_scoped3A = tpu.sem_alloc : memref<!tpu.dma_semaphore, #tpu.memory_space<semaphore_mem>>
          %dma_start3A_90 = arith.constant 0 : i32
          %dma_start3A_91 = tpu.memref_slice %arg9[%dma_start3A_90] : memref<10240xf32, #tpu.memory_space<vmem_shared>> -> memref<10240xf32, #tpu.memory_space<vmem_shared>>
          tpu.enqueue_indirect_dma source(%arg13 : memref<128xf32, #tpu.memory_space<vmem>>) target(%dma_start3A_91 : memref<10240xf32, #tpu.memory_space<vmem_shared>>) offsets(%arg12 : memref<128xi32, #tpu.memory_space<vmem>>) semaphore(%run_scoped3A : memref<!tpu.dma_semaphore, #tpu.memory_space<semaphore_mem>>) {add = true}
          %dma_wait3A_92 = arith.constant 0 : i32
          %dma_wait3A_93 = tpu.memref_slice %arg9[%dma_wait3A_92] : memref<10240xf32, #tpu.memory_space<vmem_shared>> -> memref<10240xf32, #tpu.memory_space<vmem_shared>>
          tpu.wait_indirect_dma semaphore(%run_scoped3A : memref<!tpu.dma_semaphore, #tpu.memory_space<semaphore_mem>>) src(%arg13 : memref<128xf32, #tpu.memory_space<vmem>>) dst(%dma_wait3A_93 : memref<10240xf32, #tpu.memory_space<vmem_shared>>)
          tpu.yield
        }) : () -> ()
      } else {
      }
      %scan3A_82 = arith.constant 0 : i32
      scf.yield %scan3A_82 : i32
    }
    %scan3A_62 = arith.constant 103 : i32
    %barrier3A_63 = arith.constant 0 : index
    tpu.barrier barrier_id(%barrier3A_63)
    %mul3A_64 = arith.constant 640 : i32
    %mul3A_65 = arith.muli %arg1, %mul3A_64 : i32
    %mul3A_66 = arith.constant 10240 : i32
    %mul3A_67 = arith.muli %arg0, %mul3A_66 : i32
    %add3A_68 = arith.addi %mul3A_67, %mul3A_65 : i32
    "tpu.region"() ({
      %run_scoped3A = tpu.sem_alloc : memref<!tpu.dma_semaphore, #tpu.memory_space<semaphore_mem>>
      %dma_start3A = arith.constant 0 : i32
      %dma_start3A_77 = tpu.memref_slice %arg5[%add3A_68, %dma_start3A] : memref<20480x128xf32, #tpu.memory_space<hbm>> -> memref<640x128xf32, #tpu.memory_space<hbm>>
      %dma_start3A_78 = arith.constant 0 : i32
      %dma_start3A_79 = tpu.memref_slice %arg8[%mul3A_65, %dma_start3A_78] : memref<10240x128xf32, #tpu.memory_space<vmem_shared>> -> memref<640x128xf32, #tpu.memory_space<vmem_shared>>
      tpu.enqueue_dma source(%dma_start3A_79 : memref<640x128xf32, #tpu.memory_space<vmem_shared>>) target(%dma_start3A_77 : memref<640x128xf32, #tpu.memory_space<hbm>>) target_semaphore(%run_scoped3A : memref<!tpu.dma_semaphore, #tpu.memory_space<semaphore_mem>>)
      %dma_wait3A = arith.constant 0 : i32
      %dma_wait3A_80 = tpu.memref_slice %arg5[%add3A_68, %dma_wait3A] : memref<20480x128xf32, #tpu.memory_space<hbm>> -> memref<640x128xf32, #tpu.memory_space<hbm>>
      %dma_wait3A_81 = arith.constant 0 : i32
      %dma_wait3A_82 = tpu.memref_slice %arg8[%mul3A_65, %dma_wait3A_81] : memref<10240x128xf32, #tpu.memory_space<vmem_shared>> -> memref<640x128xf32, #tpu.memory_space<vmem_shared>>
      tpu.wait_dma2 semaphore(%run_scoped3A : memref<!tpu.dma_semaphore, #tpu.memory_space<semaphore_mem>>) src(%dma_wait3A_82 : memref<640x128xf32, #tpu.memory_space<vmem_shared>>) dst(%dma_wait3A_80 : memref<640x128xf32, #tpu.memory_space<hbm>>)
      tpu.yield
    }) : () -> ()
    %eq3A_69 = arith.constant 0 : i32
    %eq3A_70 = arith.cmpi eq, %arg0, %eq3A_69 : i32
    %convert_element_type3A = arith.extui %eq3A_70 : i1 to i32
    %cond3A = arith.constant 0 : i32
    %cond3A_71 = arith.cmpi ne, %convert_element_type3A, %cond3A : i32
    scf.if %cond3A_71 {
      "tpu.region"() ({
        %run_scoped3A = tpu.sem_alloc : memref<!tpu.dma_semaphore, #tpu.memory_space<semaphore_mem>>
        %dma_start3A = tpu.memref_slice %arg6[%mul3A_65] : memref<10240xf32, #tpu.memory_space<hbm>> -> memref<640xf32, #tpu.memory_space<hbm>>
        %dma_start3A_77 = tpu.memref_slice %arg9[%mul3A_65] : memref<10240xf32, #tpu.memory_space<vmem_shared>> -> memref<640xf32, #tpu.memory_space<vmem_shared>>
        tpu.enqueue_dma source(%dma_start3A_77 : memref<640xf32, #tpu.memory_space<vmem_shared>>) target(%dma_start3A : memref<640xf32, #tpu.memory_space<hbm>>) target_semaphore(%run_scoped3A : memref<!tpu.dma_semaphore, #tpu.memory_space<semaphore_mem>>)
        %dma_wait3A = tpu.memref_slice %arg6[%mul3A_65] : memref<10240xf32, #tpu.memory_space<hbm>> -> memref<640xf32, #tpu.memory_space<hbm>>
        %dma_wait3A_78 = tpu.memref_slice %arg9[%mul3A_65] : memref<10240xf32, #tpu.memory_space<vmem_shared>> -> memref<640xf32, #tpu.memory_space<vmem_shared>>
        tpu.wait_dma2 semaphore(%run_scoped3A : memref<!tpu.dma_semaphore, #tpu.memory_space<semaphore_mem>>) src(%dma_wait3A_78 : memref<640xf32, #tpu.memory_space<vmem_shared>>) dst(%dma_wait3A : memref<640xf32, #tpu.memory_space<hbm>>)
        tpu.yield
      }) : () -> ()
    } else {
    }
    %eq3A_72 = arith.constant 1 : i32
    %eq3A_73 = arith.cmpi eq, %arg0, %eq3A_72 : i32
    %convert_element_type3A_74 = arith.extui %eq3A_73 : i1 to i32
    %cond3A_75 = arith.constant 0 : i32
    %cond3A_76 = arith.cmpi ne, %convert_element_type3A_74, %cond3A_75 : i32
    scf.if %cond3A_76 {
      "tpu.region"() ({
        %run_scoped3A = tpu.sem_alloc : memref<!tpu.dma_semaphore, #tpu.memory_space<semaphore_mem>>
        %dma_start3A = tpu.memref_slice %arg7[%mul3A_65] : memref<10240xf32, #tpu.memory_space<hbm>> -> memref<640xf32, #tpu.memory_space<hbm>>
        %dma_start3A_77 = tpu.memref_slice %arg9[%mul3A_65] : memref<10240xf32, #tpu.memory_space<vmem_shared>> -> memref<640xf32, #tpu.memory_space<vmem_shared>>
        tpu.enqueue_dma source(%dma_start3A_77 : memref<640xf32, #tpu.memory_space<vmem_shared>>) target(%dma_start3A : memref<640xf32, #tpu.memory_space<hbm>>) target_semaphore(%run_scoped3A : memref<!tpu.dma_semaphore, #tpu.memory_space<semaphore_mem>>)
        %dma_wait3A = tpu.memref_slice %arg7[%mul3A_65] : memref<10240xf32, #tpu.memory_space<hbm>> -> memref<640xf32, #tpu.memory_space<hbm>>
        %dma_wait3A_78 = tpu.memref_slice %arg9[%mul3A_65] : memref<10240xf32, #tpu.memory_space<vmem_shared>> -> memref<640xf32, #tpu.memory_space<vmem_shared>>
        tpu.wait_dma2 semaphore(%run_scoped3A : memref<!tpu.dma_semaphore, #tpu.memory_space<semaphore_mem>>) src(%dma_wait3A_78 : memref<640xf32, #tpu.memory_space<vmem_shared>>) dst(%dma_wait3A : memref<640xf32, #tpu.memory_space<hbm>>)
        tpu.yield
      }) : () -> ()
    } else {
    }
    return
  }
}

module attributes {stable_mosaic.version = 14 : i64} {
  func.func @_tc_body(%arg0: i32, %arg1: memref<1x1024x128xf32, #tpu.memory_space<vmem>>, %arg2: memref<1x1024x128xf32, #tpu.memory_space<vmem>>, %arg3: memref<1024xf32, #tpu.memory_space<vmem>>, %arg4: memref<1024xf32, #tpu.memory_space<vmem>>, %arg5: memref<1024x128xf32, #tpu.memory_space<vmem>>, %arg6: memref<128x128xf32, #tpu.memory_space<vmem>>, %arg7: memref<128x128xf32, #tpu.memory_space<vmem>>, %arg8: memref<128xf32, #tpu.memory_space<vmem>>, %arg9: memref<1024x128xf32, #tpu.memory_space<vmem>>) attributes {dimension_semantics = [#tpu.dimension_semantics<arbitrary>], iteration_bounds = array<i64: 10>, scalar_prefetch = 0 : i64, scratch_operands = 0 : i64, tpu.core_type = #tpu.core_type<tc>, window_params = [{transform_indices = @transform_0, window_bounds = array<i64: 1, 1024, 128>}, {transform_indices = @transform_1, window_bounds = array<i64: 1, 1024, 128>}, {transform_indices = @transform_2, window_bounds = array<i64: 1024>}, {transform_indices = @transform_3, window_bounds = array<i64: 1024>}, {transform_indices = @transform_4, window_bounds = array<i64: 1024, 128>}, {pipeline_mode = #tpu.pipeline_mode<synchronous>, transform_indices = @transform_5, window_bounds = array<i64: 128, 128>}, {pipeline_mode = #tpu.pipeline_mode<synchronous>, transform_indices = @transform_6, window_bounds = array<i64: 128, 128>}, {pipeline_mode = #tpu.pipeline_mode<synchronous>, transform_indices = @transform_7, window_bounds = array<i64: 128>}, {transform_indices = @transform_8, window_bounds = array<i64: 1024, 128>}]} {
    %get3A = arith.constant 0 : index
    %get3A_0 = vector.load %arg3[%get3A] : memref<1024xf32, #tpu.memory_space<vmem>>, vector<1024xf32>
    %get3A_1 = arith.constant 0 : index
    %get3A_2 = vector.load %arg4[%get3A_1] : memref<1024xf32, #tpu.memory_space<vmem>>, vector<1024xf32>
    %add3A = arith.addf %get3A_0, %get3A_2 : vector<1024xf32>
    %max3A = arith.constant 1.000000e+00 : f32
    %max3A_3 = vector.broadcast %max3A : f32 to vector<1024xf32>
    %max3A_4 = arith.maximumf %add3A, %max3A_3 : vector<1024xf32>
    %div3A = arith.constant 1.000000e+00 : f32
    %div3A_5 = vector.broadcast %div3A : f32 to vector<1024xf32>
    %div3A_6 = arith.divf %div3A_5, %max3A_4 : vector<1024xf32>
    %get3A_7 = arith.constant 0 : index
    %get3A_8 = arith.constant 0 : index
    %get3A_9 = arith.constant 0 : index
    %get3A_10 = vector.load %arg1[%get3A_7, %get3A_8, %get3A_9] : memref<1x1024x128xf32, #tpu.memory_space<vmem>>, vector<1x1024x128xf32>
    %get3A_11 = vector.shape_cast %get3A_10 : vector<1x1024x128xf32> to vector<1024x128xf32>
    %get3A_12 = arith.constant 0 : index
    %get3A_13 = arith.constant 0 : index
    %get3A_14 = arith.constant 0 : index
    %get3A_15 = vector.load %arg2[%get3A_12, %get3A_13, %get3A_14] : memref<1x1024x128xf32, #tpu.memory_space<vmem>>, vector<1x1024x128xf32>
    %get3A_16 = vector.shape_cast %get3A_15 : vector<1x1024x128xf32> to vector<1024x128xf32>
    %add3A_17 = arith.addf %get3A_11, %get3A_16 : vector<1024x128xf32>
    %broadcast_in_dim3A = vector.shape_cast %div3A_6 : vector<1024xf32> to vector<1024x1xf32>
    %mul3A = vector.broadcast %broadcast_in_dim3A : vector<1024x1xf32> to vector<1024x128xf32>
    %mul3A_18 = arith.mulf %add3A_17, %mul3A : vector<1024x128xf32>
    %get3A_19 = arith.constant 0 : index
    %get3A_20 = arith.constant 0 : index
    %get3A_21 = vector.load %arg6[%get3A_19, %get3A_20] : memref<128x128xf32, #tpu.memory_space<vmem>>, vector<128x128xf32>
    %dot_general3A = arith.constant dense<0.000000e+00> : vector<1024x128xf32>
    %dot_general3A_22 = tpu.matmul %mul3A_18, %get3A_21, %dot_general3A {dimension_numbers = #tpu.dot_dimension_numbers<[1], [0], [0], [1], [0, 0, 1, 1], [], []>, transpose_lhs_hint = false} : vector<1024x128xf32>, vector<128x128xf32>, vector<1024x128xf32> -> vector<1024x128xf32>
    %get3A_23 = arith.constant 0 : index
    %get3A_24 = arith.constant 0 : index
    %get3A_25 = vector.load %arg5[%get3A_23, %get3A_24] : memref<1024x128xf32, #tpu.memory_space<vmem>>, vector<1024x128xf32>
    %get3A_26 = arith.constant 0 : index
    %get3A_27 = arith.constant 0 : index
    %get3A_28 = vector.load %arg7[%get3A_26, %get3A_27] : memref<128x128xf32, #tpu.memory_space<vmem>>, vector<128x128xf32>
    %dot_general3A_29 = arith.constant dense<0.000000e+00> : vector<1024x128xf32>
    %dot_general3A_30 = tpu.matmul %get3A_25, %get3A_28, %dot_general3A_29 {dimension_numbers = #tpu.dot_dimension_numbers<[1], [0], [0], [1], [0, 0, 1, 1], [], []>, transpose_lhs_hint = false} : vector<1024x128xf32>, vector<128x128xf32>, vector<1024x128xf32> -> vector<1024x128xf32>
    %add3A_31 = arith.addf %dot_general3A_22, %dot_general3A_30 : vector<1024x128xf32>
    %get3A_32 = arith.constant 0 : index
    %get3A_33 = vector.load %arg8[%get3A_32] : memref<128xf32, #tpu.memory_space<vmem>>, vector<128xf32>
    %broadcast_in_dim3A_34 = vector.shape_cast %get3A_33 : vector<128xf32> to vector<1x128xf32>
    %add3A_35 = vector.broadcast %broadcast_in_dim3A_34 : vector<1x128xf32> to vector<1024x128xf32>
    %add3A_36 = arith.addf %add3A_31, %add3A_35 : vector<1024x128xf32>
    %max3A_37 = arith.constant 0.000000e+00 : f32
    %max3A_38 = vector.broadcast %max3A_37 : f32 to vector<1024x128xf32>
    %max3A_39 = arith.maximumf %add3A_36, %max3A_38 : vector<1024x128xf32>
    %swap3A = arith.constant 0 : index
    %swap3A_40 = arith.constant 0 : index
    %swap3A_41 = vector.load %arg9[%swap3A, %swap3A_40] : memref<1024x128xf32, #tpu.memory_space<vmem>>, vector<1024x128xf32>
    tpu.vector_store %arg9[%swap3A, %swap3A_40], %max3A_39 {strides = array<i32>} : memref<1024x128xf32, #tpu.memory_space<vmem>>, vector<1024x128xf32>,
    return
  }
  func.func @transform_0(%arg0: i32) -> (i32, i32, i32) {
    %c0_i32 = arith.constant 0 : i32
    %c0_i32_0 = arith.constant 0 : i32
    %c0_i32_1 = arith.constant 0 : i32
    return %c0_i32, %arg0, %c0_i32_0 : i32, i32, i32
  }
  func.func @transform_1(%arg0: i32) -> (i32, i32, i32) {
    %c1_i32 = arith.constant 1 : i32
    %c0_i32 = arith.constant 0 : i32
    %c0_i32_0 = arith.constant 0 : i32
    return %c1_i32, %arg0, %c0_i32 : i32, i32, i32
  }
  func.func @transform_2(%arg0: i32) -> i32 {
    %c0_i32 = arith.constant 0 : i32
    return %arg0 : i32
  }
  func.func @transform_3(%arg0: i32) -> i32 {
    %c0_i32 = arith.constant 0 : i32
    return %arg0 : i32
  }
  func.func @transform_4(%arg0: i32) -> (i32, i32) {
    %c0_i32 = arith.constant 0 : i32
    %c0_i32_0 = arith.constant 0 : i32
    return %arg0, %c0_i32 : i32, i32
  }
  func.func @transform_5(%arg0: i32) -> (i32, i32) {
    %c0_i32 = arith.constant 0 : i32
    %c0_i32_0 = arith.constant 0 : i32
    %c0_i32_1 = arith.constant 0 : i32
    return %c0_i32, %c0_i32_0 : i32, i32
  }
  func.func @transform_6(%arg0: i32) -> (i32, i32) {
    %c0_i32 = arith.constant 0 : i32
    %c0_i32_0 = arith.constant 0 : i32
    %c0_i32_1 = arith.constant 0 : i32
    return %c0_i32, %c0_i32_0 : i32, i32
  }
  func.func @transform_7(%arg0: i32) -> i32 {
    %c0_i32 = arith.constant 0 : i32
    %c0_i32_0 = arith.constant 0 : i32
    return %c0_i32 : i32
  }
  func.func @transform_8(%arg0: i32) -> (i32, i32) {
    %c0_i32 = arith.constant 0 : i32
    %c0_i32_0 = arith.constant 0 : i32
    return %arg0, %c0_i32 : i32, i32
  }
}

module attributes {stable_mosaic.version = 14 : i64} {
  func.func @_tc_body(%arg0: i32, %arg1: memref<1x1024x128xf32, #tpu.memory_space<vmem>>, %arg2: memref<1x1024x128xf32, #tpu.memory_space<vmem>>, %arg3: memref<1024xf32, #tpu.memory_space<vmem>>, %arg4: memref<1024xf32, #tpu.memory_space<vmem>>, %arg5: memref<1024x128xf32, #tpu.memory_space<vmem>>, %arg6: memref<128x128xf32, #tpu.memory_space<vmem>>, %arg7: memref<128x128xf32, #tpu.memory_space<vmem>>, %arg8: memref<128xf32, #tpu.memory_space<vmem>>, %arg9: memref<1024x128xf32, #tpu.memory_space<vmem>>) attributes {dimension_semantics = [#tpu.dimension_semantics<arbitrary>], iteration_bounds = array<i64: 10>, scalar_prefetch = 0 : i64, scratch_operands = 0 : i64, tpu.core_type = #tpu.core_type<tc>, window_params = [{transform_indices = @transform_0, window_bounds = array<i64: 1, 1024, 128>}, {transform_indices = @transform_1, window_bounds = array<i64: 1, 1024, 128>}, {transform_indices = @transform_2, window_bounds = array<i64: 1024>}, {transform_indices = @transform_3, window_bounds = array<i64: 1024>}, {transform_indices = @transform_4, window_bounds = array<i64: 1024, 128>}, {pipeline_mode = #tpu.pipeline_mode<synchronous>, transform_indices = @transform_5, window_bounds = array<i64: 128, 128>}, {pipeline_mode = #tpu.pipeline_mode<synchronous>, transform_indices = @transform_6, window_bounds = array<i64: 128, 128>}, {pipeline_mode = #tpu.pipeline_mode<synchronous>, transform_indices = @transform_7, window_bounds = array<i64: 128>}, {transform_indices = @transform_8, window_bounds = array<i64: 1024, 128>}]} {
    %get3A = arith.constant 0 : index
    %get3A_0 = vector.load %arg3[%get3A] : memref<1024xf32, #tpu.memory_space<vmem>>, vector<1024xf32>
    %get3A_1 = arith.constant 0 : index
    %get3A_2 = vector.load %arg4[%get3A_1] : memref<1024xf32, #tpu.memory_space<vmem>>, vector<1024xf32>
    %add3A = arith.addf %get3A_0, %get3A_2 : vector<1024xf32>
    %max3A = arith.constant 1.000000e+00 : f32
    %max3A_3 = vector.broadcast %max3A : f32 to vector<1024xf32>
    %max3A_4 = arith.maximumf %add3A, %max3A_3 : vector<1024xf32>
    %div3A = arith.constant 1.000000e+00 : f32
    %div3A_5 = vector.broadcast %div3A : f32 to vector<1024xf32>
    %div3A_6 = arith.divf %div3A_5, %max3A_4 : vector<1024xf32>
    %get3A_7 = arith.constant 0 : index
    %get3A_8 = arith.constant 0 : index
    %get3A_9 = arith.constant 0 : index
    %get3A_10 = vector.load %arg1[%get3A_7, %get3A_8, %get3A_9] : memref<1x1024x128xf32, #tpu.memory_space<vmem>>, vector<1x1024x128xf32>
    %get3A_11 = vector.shape_cast %get3A_10 : vector<1x1024x128xf32> to vector<1024x128xf32>
    %get3A_12 = arith.constant 0 : index
    %get3A_13 = arith.constant 0 : index
    %get3A_14 = arith.constant 0 : index
    %get3A_15 = vector.load %arg2[%get3A_12, %get3A_13, %get3A_14] : memref<1x1024x128xf32, #tpu.memory_space<vmem>>, vector<1x1024x128xf32>
    %get3A_16 = vector.shape_cast %get3A_15 : vector<1x1024x128xf32> to vector<1024x128xf32>
    %add3A_17 = arith.addf %get3A_11, %get3A_16 : vector<1024x128xf32>
    %broadcast_in_dim3A = vector.shape_cast %div3A_6 : vector<1024xf32> to vector<1024x1xf32>
    %mul3A = vector.broadcast %broadcast_in_dim3A : vector<1024x1xf32> to vector<1024x128xf32>
    %mul3A_18 = arith.mulf %add3A_17, %mul3A : vector<1024x128xf32>
    %get3A_19 = arith.constant 0 : index
    %get3A_20 = arith.constant 0 : index
    %get3A_21 = vector.load %arg6[%get3A_19, %get3A_20] : memref<128x128xf32, #tpu.memory_space<vmem>>, vector<128x128xf32>
    %dot_general3A = arith.constant dense<0.000000e+00> : vector<1024x128xf32>
    %dot_general3A_22 = tpu.matmul %mul3A_18, %get3A_21, %dot_general3A {dimension_numbers = #tpu.dot_dimension_numbers<[1], [0], [0], [1], [0, 0, 1, 1], [], []>, transpose_lhs_hint = false} : vector<1024x128xf32>, vector<128x128xf32>, vector<1024x128xf32> -> vector<1024x128xf32>
    %get3A_23 = arith.constant 0 : index
    %get3A_24 = arith.constant 0 : index
    %get3A_25 = vector.load %arg5[%get3A_23, %get3A_24] : memref<1024x128xf32, #tpu.memory_space<vmem>>, vector<1024x128xf32>
    %get3A_26 = arith.constant 0 : index
    %get3A_27 = arith.constant 0 : index
    %get3A_28 = vector.load %arg7[%get3A_26, %get3A_27] : memref<128x128xf32, #tpu.memory_space<vmem>>, vector<128x128xf32>
    %dot_general3A_29 = arith.constant dense<0.000000e+00> : vector<1024x128xf32>
    %dot_general3A_30 = tpu.matmul %get3A_25, %get3A_28, %dot_general3A_29 {dimension_numbers = #tpu.dot_dimension_numbers<[1], [0], [0], [1], [0, 0, 1, 1], [], []>, transpose_lhs_hint = false} : vector<1024x128xf32>, vector<128x128xf32>, vector<1024x128xf32> -> vector<1024x128xf32>
    %add3A_31 = arith.addf %dot_general3A_22, %dot_general3A_30 : vector<1024x128xf32>
    %get3A_32 = arith.constant 0 : index
    %get3A_33 = vector.load %arg8[%get3A_32] : memref<128xf32, #tpu.memory_space<vmem>>, vector<128xf32>
    %broadcast_in_dim3A_34 = vector.shape_cast %get3A_33 : vector<128xf32> to vector<1x128xf32>
    %add3A_35 = vector.broadcast %broadcast_in_dim3A_34 : vector<1x128xf32> to vector<1024x128xf32>
    %add3A_36 = arith.addf %add3A_31, %add3A_35 : vector<1024x128xf32>
    %swap3A = arith.constant 0 : index
    %swap3A_37 = arith.constant 0 : index
    %swap3A_38 = vector.load %arg9[%swap3A, %swap3A_37] : memref<1024x128xf32, #tpu.memory_space<vmem>>, vector<1024x128xf32>
    tpu.vector_store %arg9[%swap3A, %swap3A_37], %add3A_36 {strides = array<i32>} : memref<1024x128xf32, #tpu.memory_space<vmem>>, vector<1024x128xf32>,
    return
  }
  func.func @transform_0(%arg0: i32) -> (i32, i32, i32) {
    %c0_i32 = arith.constant 0 : i32
    %c0_i32_0 = arith.constant 0 : i32
    %c0_i32_1 = arith.constant 0 : i32
    return %c0_i32, %arg0, %c0_i32_0 : i32, i32, i32
  }
  func.func @transform_1(%arg0: i32) -> (i32, i32, i32) {
    %c1_i32 = arith.constant 1 : i32
    %c0_i32 = arith.constant 0 : i32
    %c0_i32_0 = arith.constant 0 : i32
    return %c1_i32, %arg0, %c0_i32 : i32, i32, i32
  }
  func.func @transform_2(%arg0: i32) -> i32 {
    %c0_i32 = arith.constant 0 : i32
    return %arg0 : i32
  }
  func.func @transform_3(%arg0: i32) -> i32 {
    %c0_i32 = arith.constant 0 : i32
    return %arg0 : i32
  }
  func.func @transform_4(%arg0: i32) -> (i32, i32) {
    %c0_i32 = arith.constant 0 : i32
    %c0_i32_0 = arith.constant 0 : i32
    return %arg0, %c0_i32 : i32, i32
  }
  func.func @transform_5(%arg0: i32) -> (i32, i32) {
    %c0_i32 = arith.constant 0 : i32
    %c0_i32_0 = arith.constant 0 : i32
    %c0_i32_1 = arith.constant 0 : i32
    return %c0_i32, %c0_i32_0 : i32, i32
  }
  func.func @transform_6(%arg0: i32) -> (i32, i32) {
    %c0_i32 = arith.constant 0 : i32
    %c0_i32_0 = arith.constant 0 : i32
    %c0_i32_1 = arith.constant 0 : i32
    return %c0_i32, %c0_i32_0 : i32, i32
  }
  func.func @transform_7(%arg0: i32) -> i32 {
    %c0_i32 = arith.constant 0 : i32
    %c0_i32_0 = arith.constant 0 : i32
    return %c0_i32 : i32
  }
  func.func @transform_8(%arg0: i32) -> (i32, i32) {
    %c0_i32 = arith.constant 0 : i32
    %c0_i32_0 = arith.constant 0 : i32
    return %arg0, %c0_i32 : i32, i32
  }
}

</mosaic_0001>

<sc_bundles>
// kernel: kernel.11.cloned.1.call-start
scs
__scs_entry_jumppad:
0x0: {  	(pc) =	sbr.rel $0x88, $3  }
0x1: {  	(tag) =	ssettag $0x0;
	lr =	simm.s32 $0x1  }
0x2: {  	[smem:$0x3F96] =	sst lr;
	_ =	strace $0xD0000000  }
0x3: {  	_ = 	snop  }
0x4: {  	_ = 	snop  }
0x5: {  	_ = 	snop  }
0x6: {  	_ = 	snop  }
0x7: {  	_ = 	snop  }
__scs_overlays_trampoline_lowered:
0x8: {  	[smem:$0x3FA5] =	sst s0  }
0x9: {  	[smem:$0x3FA6] =	sst s1  }
0xa: {  	[smem:$0x3FA7] =	sst s2  }
0xb: {  	[smem:$0x3FA8] =	sst s3  }
0xc: {  	[smem:$0x3FA9] =	sst s4  }
0xd: {  	[smem:$0x3FAA] =	sst s5  }
0xe: {  	[smem:$0x3FAB] =	sst s6  }
0xf: {  	[smem:$0x3FAC] =	sst s7  }
0x10: {  	[smem:$0x3FAD] =	sst s8  }
0x11: {  	[smem:$0x3FAE] =	sst s9;
	s0 =	simm.s32 @!p0 $0x0  }
0x12: {  	s1 =	sld [smem:$0x3F94];
	s0 =	simm.s32 @p0 $0x1  }
0x13: {  	[smem:$0x3FAF] =	sst s0;
	s0 =	simm.s32 @!p1 $0x0  }
0x14: {  	s2 =	sld [smem:$0x3F93];
	s0 =	simm.s32 @p1 $0x1  }
0x15: {  	[smem:$0x3FB0] =	sst s0;
	s0 =	simm.s32 @!p2 $0x0  }
0x16: {  	s3 =	sld [smem:$0x3FDB];
	s0 =	simm.s32 @p2 $0x1  }
0x17: {  	s4 =	simm.s32 $0x1BF5;
	[smem:$0x3FB2] =	sst s0  }
0x18: {  	s0 =	sld [smem:$0x3F95];
	_ =	swait.ge [sflag:s4], $0x0  }
0x19: {  	s7 =	sld [smem:$0x3F96]  }
0x1a: {  	s8 =	sadd.s32 $0xFFFFE003, lr  }
0x1b: {  	s9 =	sadd.s32 $0xFFFFFEF7, lr;
	s5 =	simm.s32 $0xFFFFFFFF;
	p2 =	slt.u32 s8, $0xFFFFF086  }
0x1c: {  	p1 =	slt.u32 s9, $0xF7A;
	s5 =	simm.s32 @!p2 $0x0  }
0x1d: {  	s5 =	simm.s32 @p1 $0x1;
	p0 =	seq.s32 s7, s2  }
0x1e: {  	s7 =	smul.u32 @!p0 $0xF7A, s2;
	p2 =	seq.s32 @!p0 s5, $0x0  }
0x1f: {  	s9 =	smul.u32 $0xF7A, s1;
	s8 =	simm.s32 @!p0 $0x1BF5;
	p2 =	por !p2, p0  }
0x20: {  	[sflag:s8] =	ssyncset.s32 @!p0 $0xFFFFF086;
	s6 =	sadd.s32 @!p0 s3, s7;
	s7 =	simm.s32 @!p0 $0x108  }
0x21: {  	s3 =	sadd.s32 s3, s9;
	s6 =	sadd.s32 @!p0 $0x88, s6;
	s7 =	simm.s32 @p2 $0x1082  }
0x22: {  	[simem:s7], [sflag:s8] =	dma.local @!p0 [hbm:s6], $0xF7A  }
0x23: {  	s9 =	sor.u32 $0xD0000000, s2;
	s6 =	simm.s32 $0x108;
	_ =	swait.ge @!p0 [sflag:s8], $0x0  }
0x24: {  	s3 =	sadd.s32 $0x88, s3;
	s6 =	simm.s32 @!p1 $0x1082;
	[sflag:s4] =	ssyncset.s32 $0xFFFFF086  }
0x25: {  	[simem:s6], [sflag:s4] =	dma.local [hbm:s3], $0xF7A  }
0x26: {  	[smem:$0x3F96] =	sst s1;
	(tag) =	ssettag s2;
	_ =	strace s9  }
0x27: {  	s1 =	sld [smem:$0x3FA6]  }
0x28: {  	s2 =	sld [smem:$0x3FA7]  }
0x29: {  	s4 =	sld [smem:$0x3FA9]  }
0x2a: {  	p0 =	seq.s32 s5, $0x0;
	s5 =	sld [smem:$0x3FAA]  }
0x2b: {  	s6 =	sld [smem:$0x3FAB]  }
0x2c: {  	s7 =	sld [smem:$0x3FAC]  }
0x2d: {  	s3 =	simm.s32 $0x108;
	s8 =	sld [smem:$0x3FAD]  }
0x2e: {  	s3 =	simm.s32 @!p0 $0x1082;
	s9 =	sld [smem:$0x3FAE]  }
0x2f: {  	lr =	sadd.s32 s0, s3;
	s0 =	sld [smem:$0x3FA5]  }
0x30: {  	s3 =	sld [smem:$0x3FA8]  }
0x31: {  	[smem:$0x3FB1] =	sst s10  }
0x32: {  	s10 =	sld [smem:$0x3FAF];
	_ =	sdelay $0x3  }
0x33: {  	p0 =	seq.s32 s10, $0x1;
	s10 =	sld [smem:$0x3FB1];
	_ =	sdelay $0x3  }
0x34: {  	[smem:$0x3FB1] =	sst s10  }
0x35: {  	s10 =	sld [smem:$0x3FB0];
	_ =	sdelay $0x3  }
0x36: {  	p1 =	seq.s32 s10, $0x1;
	s10 =	sld [smem:$0x3FB1];
	_ =	sdelay $0x3  }
0x37: {  	[smem:$0x3FB1] =	sst s10  }
0x38: {  	s10 =	sld [smem:$0x3FB2]  }
0x39: {  	_ = 	snop;
	(pc) =	sbr.ind lr, $3  }
0x3a: {  	_ = 	snop  }
0x3b: {  	_ = 	snop  }
0x3c: {  	p2 =	seq.s32 s10, $0x1;
	s10 =	sld [smem:$0x3FB1]  }
0x3d: {  	_ =	shalt  }
0x3e: {  	_ =	shalt  }
0x3f: {  	_ =	shalt  }
0x40: {  	_ =	shalt  }
0x41: {  	_ =	shalt  }
0x42: {  	_ =	shalt  }
0x43: {  	_ =	shalt  }
0x44: {  	_ =	shalt  }
0x45: {  	_ =	shalt  }
0x46: {  	_ =	shalt  }
0x47: {  	_ =	shalt  }
0x48: {  	_ =	shalt  }
0x49: {  	_ =	shalt  }
0x4a: {  	_ =	shalt  }
0x4b: {  	_ =	shalt  }
0x4c: {  	_ =	shalt  }
0x4d: {  	_ =	shalt  }
0x4e: {  	_ =	shalt  }
0x4f: {  	_ =	shalt  }
0x50: {  	_ =	shalt  }
0x51: {  	_ =	shalt  }
0x52: {  	_ =	shalt  }
0x53: {  	_ =	shalt  }
0x54: {  	_ =	shalt  }
0x55: {  	_ =	shalt  }
0x56: {  	_ =	shalt  }
0x57: {  	_ =	shalt  }
0x58: {  	_ =	shalt  }
0x59: {  	_ =	shalt  }
0x5a: {  	_ =	shalt  }
0x5b: {  	_ =	shalt  }
0x5c: {  	_ =	shalt  }
0x5d: {  	_ =	shalt  }
0x5e: {  	_ =	shalt  }
0x5f: {  	_ =	shalt  }
0x60: {  	_ =	shalt  }
0x61: {  	_ =	shalt  }
0x62: {  	_ =	shalt  }
0x63: {  	_ =	shalt  }
0x64: {  	_ =	shalt  }
0x65: {  	_ =	shalt  }
0x66: {  	_ =	shalt  }
0x67: {  	_ =	shalt  }
0x68: {  	_ =	shalt  }
0x69: {  	_ =	shalt  }
0x6a: {  	_ =	shalt  }
0x6b: {  	_ =	shalt  }
0x6c: {  	_ =	shalt  }
0x6d: {  	_ =	shalt  }
0x6e: {  	_ =	shalt  }
0x6f: {  	_ =	shalt  }
0x70: {  	_ =	shalt  }
0x71: {  	_ =	shalt  }
0x72: {  	_ =	shalt  }
0x73: {  	_ =	shalt  }
0x74: {  	_ =	shalt  }
0x75: {  	_ =	shalt  }
0x76: {  	_ =	shalt  }
0x77: {  	_ =	shalt  }
0x78: {  	_ =	shalt  }
0x79: {  	_ =	shalt  }
0x7a: {  	_ =	shalt  }
0x7b: {  	_ =	shalt  }
0x7c: {  	_ =	shalt  }
0x7d: {  	_ =	shalt  }
0x7e: {  	_ =	shalt  }
0x7f: {  	_ =	shalt  }
0x80: {  	_ =	shalt  }
0x81: {  	_ =	shalt  }
0x82: {  	_ =	shalt  }
0x83: {  	_ =	shalt  }
0x84: {  	_ =	shalt  }
0x85: {  	_ =	shalt  }
0x86: {  	_ =	shalt  }
0x87: {  	_ =	shalt  }
.Lfunc_end0:
.L_simem_size_0:
called_computation.1_lowered:
.L_overlay_start_0:
0x88: {  	s2 =	sld [smem:$0x3FD9]  }
0x89: {  	s3 =	sld [smem:$0x3FFE];
	_ =	sdelay $0x1  }
0x8a: {  	s1 =	srdreg.scid  }
0x8b: {  	s0 =	sand.u32 $0x1, s1  }
0x8c: {  	s17 =	sshll.u32 s0, $0xA;
	s2 =	sadd.s32 s3, s2  }
0x8d: {  	s2 =	sadd.s32 s2, s17  }
0x8e: {  	[smem:$0x3FBD] =	sst s2  }
0x8f: {  	_ = 	snop  }
0x90: {  	s2 =	sld [smem:$0x3FD0];
	(tm) =	ssettm $0x1  }
0x91: {  	s18 =	sld [smem:$0x3FFB];
	_ =	sdelay $0x3  }
0x92: {  	_ =	strace s18  }
0x93: {  	s3 =	sld [smem:$0x3FFC];
	_ =	sdelay $0x3  }
0x94: {  	_ =	strace s3  }
0x95: {  	s3 =	sld [smem:$0x3FFD];
	_ =	sdelay $0x3  }
0x96: {  	_ =	strace s3  }
0x97: {  	_ =	strace $0x8FFFFFFF  }
0x98: {  	s19 =	sld [smem:$0x3FDB];
	_ =	sdelay $0x1  }
0x99: {  	s4 =	simm.s32 $_scs_section_size  }
0x9a: {  	s5 =	simm.s32 $_size__tile_overlayer_lowered;
	s6 =	simm.s32 $_tile_overlayer_lowered  }
0x9b: {  	s22 =	simm.s32 $0x1BFF;
	s21 =	sshll.u32 s6, $0x1;
	s3 =	sadd.s32 s4, s19  }
0x9c: {  	s7 =	simm.s32 $0x0;
	s20 =	sshll.u32 s5, $0x1;
	s5 =	sadd.s32 s21, s3  }
0x9d: {  	[timem:s7], [sflag:s22] =	dma.local [hbm:s5], s20  }
0x9e: {  	_ =	swait.ge [sflag:s22], s20  }
0x9f: {  	s4 =	ssub.s32 $0x0, s20;
	[sflag:s22] =	ssyncset.done $0x0  }
0xa0: {  	[sflag:s22] =	ssyncadd.s32 s4;
	_ =	sdelay $0x1  }
0xa1: {  	s23 =	simm.s32 $0x1B8B  }
0xa2: {  	_ =	swait.ge [sflag:s23], $0x1  }
0xa3: {  	[sflag:s23] =	ssyncset.done $0x0  }
0xa4: {  	s25 =	simm.s32 $0x1B8E;
	s24 =	sld [smem:$0x3FFE];
	[sflag:s23] =	ssyncadd.s32 $0xFFFFFFFF  }
0xa5: {  	s26 =	simm.s32 $execute0_lowered;
	[smem:$0x3FD2] =	sst s25  }
0xa6: {  	s5 =	sshll.u32 s26, $0x1;
	_ =	strace $0x80000049;
	[dreg:$0x1] =	wrdreg $0xFFFFFFFF  }
0xa7: {  	s28 =	simm.s32 $_size_execute0_lowered;
	s3 =	sadd.s32 s3, s5;
	[dreg:$0x0] =	wrdreg $0x0  }
0xa8: {  	s5 =	sshll.u32 s28, $0x1;
	[dreg:$0x2] =	wrdreg s3  }
0xa9: {  	[dreg:$0x3] =	wrdreg s5  }
0xaa: {  	[dreg:$0x4] =	wrdreg $0xC0  }
0xab: {  	_ =	task [dreg:s7], $0x5FFFF  }
0xac: {  	[dreg:$0x1] =	wrdreg $0xFFFFFFFF  }
0xad: {  	[dreg:$0x0] =	wrdreg $0x60  }
0xae: {  	[dreg:$0x2] =	wrdreg s2  }
0xaf: {  	[dreg:$0x3] =	wrdreg s24  }
0xb0: {  	[dreg:$0x4] =	wrdreg $0x0  }
0xb1: {  	[dreg:$0x5] =	wrdreg $0x140000  }
0xb2: {  	[dreg:$0x6] =	wrdreg $0x9  }
0xb3: {  	_ =	task.clear_ibuf [dreg:s7], $0x7FFFF;
	_ =	strace $0x90000049  }
0xb4: {  	s29 =	simm.s32 $0x9;
	_ =	strace $0x8000004B  }
0xb5: {  	_ =	swait.ge [sflag:s29], $0x1  }
0xb6: {  	[sflag:s29] =	ssyncadd.s32 $0xFFFFFFFF  }
0xb7: {  	_ =	strace $0x9000004B  }
0xb8: {  	_ =	sfence  }
0xb9: {  	s30 =	sld [smem:$0x0];
	_ =	sdelay $0x2  }
0xba: {  	s31 =	sshll.u32 s1, $0xD;
	s1 =	sshrl.u32 s1, $0x2  }
0xbb: {  	s3 =	sand.u32 $0x4000, s31;
	s1 =	sadd.s32 s1, s30  }
0xbc: {  	s0 =	sor.u32 s3, s0;
	s1 =	sshll.u32 s1, $0x11  }
0xbd: {  	s0 =	sor.u32 s1, s0  }
0xbe: {  	s0 =	sadd.s32 $0x8F2B, s0  }
0xbf: {  	[sflag:s0] =	ssyncadd.remote.s32 $0x1  }
0xc0: {  	_ =	sfence.sel $0xFFFF  }
0xc1: {  	[dreg:$0x0] =	wrdreg $0xFFFFFFFF;
	(pc) =	sbr.abs _section_cstart, $3  }
0xc2: {  	[dreg:$0x1] =	wrdreg $0xFFFFFFFF  }
0xc3: {  	_ =	task.clear_ibuf [dreg:s7], $0x2FFFF;
	_ =	strace $0x9FFFFFFF  }
0xc4: {  	(tm) =	ssettm $0x7FFFFFFF  }
0xc5: {  	_ =	shalt  }
tec
execute0_lowered:
.L_overlay_start_1:
0x0: {  	(tag) =	ssettag $0x1  }
0x1: {  	s1 =	rddreg [dreg:$0x0]  }
0x2: {  	s5 =	rddreg [dreg:$0x1]  }
0x3: {  	s3 =	rddreg [dreg:$0x2]  }
0x4: {  	s11 =	rddreg [dreg:$0x3];
	s0 =	stileid.u32  }
0x5: {  	s4 =	srdreg.scid;
	s6 =	smul.u32 $0x37, s0  }
0x6: {  	s2 =	rddreg [dreg:$0x4];
	s10 =	simm.s32 $0x67;
	s8 =	smul.u32 $0x67, s0  }
0x7: {  	s16 =	simm.s32 $0x14280;
	s17 =	simm.s32 $0x2;
	s12 =	smul.u32 $0x280, s0  }
0x8: {  	s18 =	simm.s32 $0x18380;
	s7 =	sand.u32 $0x1, s4;
	s9 =	smul.u32 $0x50000, s0  }
0x9: {  	s4 =	simm.s32 $0x0;
	p0 =	seq.s32 s7, $0x0;
	s28 =	smul.u32 $0x2800, s7  }
0xa: {  	[smem:$0x7FF] =	sst s4;
	s7 =	ssub.s32 $0x2, s7;
	s6 =	sadd.s32 $0x670, s6  }
0xb: {  	_ =	strace $0x8000004A;
	s30 =	sshrl.u32 s9, $0x2;
	s6 =	smov.u32 @p0 s8  }
0xc: {  	s31 =	sshrl.u32 s7, $0x1;
	s29 =	sadd.s32 s12, s28;
	s6 =	sshll.u32 s6, $0x4  }
0xd: {  	s11 =	sadd.s32 s12, s11;
	s15 =	sadd.s32 s6, s5;
	s6 =	sshll.u32 s29, $0x4  }
0xe: {  	s10 =	simm.s32 @!p0 $0x37;
	s13 =	sadd.s32 s6, s5;
	s5 =	sadd.s32 s30, s3  }
0xf: {  	s14 =	ssub.s32 s7, s31;
	s6 =	sadd.s32 $0x4000, s5;
	s7 =	sadd.s32 $0x8000, s5  }
0x10: {  	s8 =	sadd.s32 $0xC000, s5;
	s9 =	sadd.s32 $0x10000, s5;
	s12 =	sadd.s32 $0x17400, s13  }
0x11: {  	v0 =	vimm.f32 $0.0e+00;
	s13 =	smax.u32 s14, $0x1;
	s14 =	sadd.s32 $0x3800, s15;
	s15 =	sadd.s32 $0xD600, s15  }
.LBB2_1:
0x12: {  	s19 =	simm.s32 $0x0;
	s20 =	simm.s32 $0x200  }
.LBB2_2:
0x13: {  	p0 =	sne.s32 s20, $0xFE00;
	[tilespmem:s19+$0x142F0] =	vst v0  }
0x14: {  	[tilespmem:s19+$0x14280] =	vst v0  }
0x15: {  	[tilespmem:s19+$0x14290] =	vst v0  }
.Ltmp0:
0x16: {  	[tilespmem:s19+$0x142A0] =	vst v0;
	(pc) =	sbr.rel @p0 .LBB2_2-.Ltmp0, $4  }
0x17: {  	[tilespmem:s19+$0x142B0] =	vst v0  }
0x18: {  	[tilespmem:s19+$0x142C0] =	vst v0  }
0x19: {  	[tilespmem:s19+$0x142D0] =	vst v0  }
0x1a: {  	[tilespmem:s19+$0x142E0] =	vst v0;
	s19 =	sshra.s32 s20, $0x2;
	s20 =	sadd.s32 $0x200, s20  }
0x1b: {  	[tilespmem:s19+$0x142F0] =	vst v0  }
0x1c: {  	[tilespmem:s19+$0x14280] =	vst v0  }
0x1d: {  	[tilespmem:s19+$0x14290] =	vst v0  }
0x1e: {  	[tilespmem:s19+$0x142A0] =	vst v0  }
0x1f: {  	[tilespmem:s19+$0x142B0] =	vst v0  }
0x20: {  	[tilespmem:s19+$0x142C0] =	vst v0  }
0x21: {  	[tilespmem:s19+$0x142D0] =	vst v0  }
0x22: {  	[tilespmem:s19+$0x142E0] =	vst v0  }
0x23: {  	[tilespmem:$0x18380] =	vst v0  }
0x24: {  	[tilespmem:$0x18390] =	vst v0  }
0x25: {  	[tilespmem:$0x183A0] =	vst v0  }
0x26: {  	[tilespmem:$0x183B0] =	vst v0  }
0x27: {  	[tilespmem:$0x183C0] =	vst v0  }
0x28: {  	[tilespmem:$0x183D0] =	vst v0  }
0x29: {  	[tilespmem:$0x183E0] =	vst v0  }
0x2a: {  	[tilespmem:$0x183F0] =	vst v0  }
0x2b: {  	[tilespmem:$0x18400] =	vst v0  }
0x2c: {  	[tilespmem:$0x18410] =	vst v0  }
0x2d: {  	[tilespmem:$0x18420] =	vst v0  }
0x2e: {  	[tilespmem:$0x18430] =	vst v0  }
0x2f: {  	[tilespmem:$0x18440] =	vst v0  }
0x30: {  	[tilespmem:$0x18450] =	vst v0  }
0x31: {  	[tilespmem:$0x18460] =	vst v0  }
0x32: {  	[tilespmem:$0x18470] =	vst v0  }
0x33: {  	[tilespmem:$0x18480] =	vst v0  }
0x34: {  	[tilespmem:$0x18490] =	vst v0  }
0x35: {  	[tilespmem:$0x184A0] =	vst v0  }
0x36: {  	[tilespmem:$0x184B0] =	vst v0  }
0x37: {  	[tilespmem:$0x184C0] =	vst v0  }
0x38: {  	[tilespmem:$0x184D0] =	vst v0  }
0x39: {  	[tilespmem:$0x184E0] =	vst v0  }
0x3a: {  	[tilespmem:$0x184F0] =	vst v0  }
0x3b: {  	[tilespmem:$0x18500] =	vst v0  }
0x3c: {  	[tilespmem:$0x18510] =	vst v0  }
0x3d: {  	[tilespmem:$0x18520] =	vst v0  }
0x3e: {  	[tilespmem:$0x18530] =	vst v0  }
0x3f: {  	[tilespmem:$0x18540] =	vst v0  }
0x40: {  	[tilespmem:$0x18550] =	vst v0  }
0x41: {  	[tilespmem:$0x18560] =	vst v0  }
0x42: {  	[tilespmem:$0x18570] =	vst v0  }
0x43: {  	[tilespmem:$0x18580] =	vst v0  }
0x44: {  	[tilespmem:$0x18590] =	vst v0  }
0x45: {  	[tilespmem:$0x185A0] =	vst v0  }
0x46: {  	[tilespmem:$0x185B0] =	vst v0  }
0x47: {  	[tilespmem:$0x185C0] =	vst v0  }
0x48: {  	[tilespmem:$0x185D0] =	vst v0  }
0x49: {  	[tilespmem:$0x185E0] =	vst v0  }
0x4a: {  	[tilespmem:$0x185F0] =	vst v0  }
0x4b: {  	[spmem:s5] =	stream.linear.scatter [tilespmem:s16], [sflag:$0x2], $0x4000, $0x38;
	[tilespmem:$0x18600] =	vst v63  }
0x4c: {  	_ =	swait.ge [sflag:s17], $0x4000  }
0x4d: {  	[sflag:s17] =	ssyncset.done $0x0  }
0x4e: {  	[sflag:s17] =	ssyncadd.s32 $0xFFFFC000  }
0x4f: {  	[spmem:s6] =	stream.linear.scatter [tilespmem:s16], [sflag:$0x2], $0x4000, $0x38;
	[tilespmem:$0x18600] =	vst v63  }
0x50: {  	_ =	swait.ge [sflag:s17], $0x4000  }
0x51: {  	[sflag:s17] =	ssyncset.done $0x0  }
0x52: {  	[sflag:s17] =	ssyncadd.s32 $0xFFFFC000  }
0x53: {  	[spmem:s7] =	stream.linear.scatter [tilespmem:s16], [sflag:$0x2], $0x4000, $0x38;
	[tilespmem:$0x18600] =	vst v63  }
0x54: {  	_ =	swait.ge [sflag:s17], $0x4000  }
0x55: {  	[sflag:s17] =	ssyncset.done $0x0  }
0x56: {  	[sflag:s17] =	ssyncadd.s32 $0xFFFFC000  }
0x57: {  	[spmem:s8] =	stream.linear.scatter [tilespmem:s16], [sflag:$0x2], $0x4000, $0x38;
	[tilespmem:$0x18600] =	vst v63  }
0x58: {  	_ =	swait.ge [sflag:s17], $0x4000  }
0x59: {  	[sflag:s17] =	ssyncset.done $0x0  }
0x5a: {  	[sflag:s17] =	ssyncadd.s32 $0xFFFFC000  }
0x5b: {  	[spmem:s9] =	stream.linear.scatter [tilespmem:s16], [sflag:$0x2], $0x4000, $0x38;
	[tilespmem:$0x18600] =	vst v63  }
0x5c: {  	_ =	swait.ge [sflag:s17], $0x4000  }
0x5d: {  	[sflag:s17] =	ssyncset.done $0x0  }
0x5e: {  	[sflag:s17] =	ssyncadd.s32 $0xFFFFC000  }
0x5f: {  	[spmem:s11] =	stream.linear.scatter [tilespmem:s18], [sflag:$0x2], $0x280, $0x38;
	[tilespmem:$0x18600] =	vst v63  }
0x60: {  	_ =	swait.ge [sflag:s17], $0x280  }
0x61: {  	p0 =	sle.u32 s10, $0x0;
	[sflag:s17] =	ssyncset.done $0x0  }
0x62: {  	s19 =	simm.s32 @!p0 $0x0;
	[sflag:s17] =	ssyncadd.s32 $0xFFFFFD80  }
0x63: {  	s20 =	simm.s32 @!p0 $0x18280;
	s21 =	simm.s32 @!p0 $0x3;
	[bflag:$0x0] =	sbarrier.arrive $0xFFFF  }
0x64: {  	[tilespmem:s20], [sflag:$0x3] =	stream.linear.gather @!p0 [hbm4b:s15+s19], $0x80, $0x38;
	[tilespmem:$0x18600] =	vst v63  }
0x65: {  	_ =	swait.ge @!p0 [sflag:s21], $0x80;
	p0 =	por p0, p0  }
0x66: {  	[sflag:s21] =	ssyncset.done @!p0 $0x0  }
0x67: {  	s22 =	simm.s32 @!p0 $0x18300;
	[sflag:s21] =	ssyncadd.s32 @!p0 $0xFFFFFF80  }
0x68: {  	[tilespmem:s22], [sflag:$0x3] =	stream.linear.gather @!p0 [hbm4b:s14+s19], $0x80, $0x38;
	[tilespmem:$0x18600] =	vst v63  }
0x69: {  	_ =	swait.ge @!p0 [sflag:s21], $0x80  }
0x6a: {  	s23 =	simm.s32 @!p0 $0x14280;
	[sflag:s21] =	ssyncset.done @!p0 $0x0  }
0x6b: {  	s19 =	simm.s32 @!p0 $0x1;
	[sflag:s21] =	ssyncadd.s32 @!p0 $0xFFFFFF80;
	s21 =	simm.s32 @!p0 $0x80  }
0x6c: {  	[tilespmem:s23], [sflag:$0x1] =	stream.indirect.gather @!p0 [hbm4b:s1+s21], $0x80, s20, s21, $0xb8;
	[tilespmem:$0x18600] =	vst v63  }
0x6d: {  	_ =	swait.ge @!p0 [sflag:s19], $0x4000  }
0x6e: {  	[sflag:s19] =	ssyncset.done @!p0 $0x0  }
0x6f: {  	[sflag:s19] =	ssyncadd.s32 @!p0 $0xFFFFC000  }
0x70: {  	[spmem:s3] =	stream.indirect.scatter.add.f32 @!p0 [tilespmem:s23], [sflag:$0x2], $0x80, s22, s21, $0xb8;
	[tilespmem:$0x18600] =	vst v63  }
0x71: {  	p2 =	sle.u32 s10, $0x1;
	s20 =	sadd.s32 $0x10, s15;
	s22 =	simm.s32 @!p0 $0x2  }
0x72: {  	s19 =	sadd.s32 $0x10, s14;
	s21 =	simm.s32 $0x2;
	_ =	swait.ge @!p0 [sflag:s22], $0x4000  }
.LBB2_4:
0x73: {  	s23 =	simm.s32 @!p2 $0x0  }
0x74: {  	s24 =	simm.s32 @!p2 $0x18280;
	[sflag:s22] =	ssyncset.done @!p0 $0x0;
	s25 =	smov.u32 s21  }
0x75: {  	s21 =	sadd.s32 $0x1, s21;
	s26 =	simm.s32 @!p2 $0x3;
	[sflag:s22] =	ssyncadd.s32 @!p0 $0xFFFFC000  }
0x76: {  	[tilespmem:s24], [sflag:$0x3] =	stream.linear.gather @!p2 [hbm4b:s20+s23], $0x80, $0x38;
	[tilespmem:$0x18600] =	vst v63  }
0x77: {  	p1 =	sne.s32 s21, $0x67;
	p0 =	por p2, p2;
	_ =	swait.ge @!p2 [sflag:s26], $0x80  }
0x78: {  	[sflag:s26] =	ssyncset.done @!p0 $0x0  }
0x79: {  	s28 =	simm.s32 @!p0 $0x18300;
	[sflag:s26] =	ssyncadd.s32 @!p0 $0xFFFFFF80  }
0x7a: {  	[tilespmem:s28], [sflag:$0x3] =	stream.linear.gather @!p0 [hbm4b:s19+s23], $0x80, $0x38;
	[tilespmem:$0x18600] =	vst v63  }
0x7b: {  	_ =	swait.ge @!p0 [sflag:s26], $0x80  }
0x7c: {  	s22 =	simm.s32 @!p0 $0x1;
	[sflag:s26] =	ssyncset.done @!p0 $0x0  }
0x7d: {  	s23 =	simm.s32 @!p0 $0x80;
	[sflag:s26] =	ssyncadd.s32 @!p0 $0xFFFFFF80;
	s26 =	simm.s32 @!p0 $0x14280  }
0x7e: {  	[tilespmem:s26], [sflag:$0x1] =	stream.indirect.gather @!p0 [hbm4b:s1+s23], $0x80, s24, s23, $0xb8;
	[tilespmem:$0x18600] =	vst v63  }
.Ltmp1:
0x7f: {  	_ =	swait.ge @!p0 [sflag:s22], $0x4000;
	(pc) =	sbr.rel @p1 .LBB2_4-.Ltmp1, $4  }
0x80: {  	[sflag:s22] =	ssyncset.done @!p0 $0x0  }
0x81: {  	s20 =	sadd.s32 $0x10, s20;
	[sflag:s22] =	ssyncadd.s32 @!p0 $0xFFFFC000;
	s22 =	simm.s32 @!p0 $0x2  }
0x82: {  	[spmem:s3] =	stream.indirect.scatter.add.f32 @!p0 [tilespmem:s26], [sflag:$0x2], $0x80, s28, s23, $0xb8;
	[tilespmem:$0x18600] =	vst v63  }
0x83: {  	p2 =	sge.u32 s25, s10;
	s19 =	sadd.s32 $0x10, s19;
	_ =	swait.ge @!p0 [sflag:s22], $0x4000  }
0x84: {  	s21 =	simm.s32 @!p2 $0x0;
	[sflag:s22] =	ssyncset.done @!p0 $0x0  }
0x85: {  	s23 =	simm.s32 @!p2 $0x18280;
	s24 =	simm.s32 @!p2 $0x3;
	[sflag:s22] =	ssyncadd.s32 @!p0 $0xFFFFC000  }
0x86: {  	[tilespmem:s23], [sflag:$0x3] =	stream.linear.gather @!p2 [hbm4b:s20+s21], $0x80, $0x38;
	[tilespmem:$0x18600] =	vst v63  }
0x87: {  	p0 =	por p2, p2;
	_ =	swait.ge @!p2 [sflag:s24], $0x80  }
0x88: {  	[sflag:s24] =	ssyncset.done @!p0 $0x0  }
0x89: {  	s20 =	simm.s32 @!p0 $0x18300;
	[sflag:s24] =	ssyncadd.s32 @!p0 $0xFFFFFF80  }
0x8a: {  	[tilespmem:s20], [sflag:$0x3] =	stream.linear.gather @!p0 [hbm4b:s19+s21], $0x80, $0x38;
	[tilespmem:$0x18600] =	vst v63  }
0x8b: {  	_ =	swait.ge @!p0 [sflag:s24], $0x80  }
0x8c: {  	s22 =	simm.s32 @!p0 $0x14280;
	[sflag:s24] =	ssyncset.done @!p0 $0x0  }
0x8d: {  	s19 =	simm.s32 @!p0 $0x1;
	s21 =	simm.s32 @!p0 $0x80;
	[sflag:s24] =	ssyncadd.s32 @!p0 $0xFFFFFF80  }
0x8e: {  	[tilespmem:s22], [sflag:$0x1] =	stream.indirect.gather @!p0 [hbm4b:s1+s21], $0x80, s23, s21, $0xb8;
	[tilespmem:$0x18600] =	vst v63  }
0x8f: {  	_ =	swait.ge @!p0 [sflag:s19], $0x4000  }
0x90: {  	[sflag:s19] =	ssyncset.done @!p0 $0x0  }
0x91: {  	[sflag:s19] =	ssyncadd.s32 @!p0 $0xFFFFC000;
	s19 =	simm.s32 @!p0 $0x2  }
0x92: {  	[spmem:s3] =	stream.indirect.scatter.add.f32 @!p0 [tilespmem:s22], [sflag:$0x2], $0x80, s20, s21, $0xb8;
	[tilespmem:$0x18600] =	vst v63  }
0x93: {  	_ =	swait.ge @!p0 [sflag:s19], $0x4000  }
0x94: {  	s30 =	sshll.u32 s0, $0x6;
	s4 =	sadd.s32 $0x1, s4;
	[sflag:s19] =	ssyncset.done @!p0 $0x0  }
0x95: {  	s31 =	sshrl.u32 s5, $0x3;
	[sflag:s19] =	ssyncadd.s32 @!p0 $0xFFFFC000;
	p0 =	sne.s32 s4, s13  }
.Ltmp2:
0x96: {  	s19 =	sor.u32 $0x1C02, s30;
	[bflag:$0x0] =	sbarrier.arrive $0xFFFF;
	(pc) =	sbr.rel @p0 .LBB2_1-.Ltmp2, $4  }
0x97: {  	[hbm:s12], [sflag:s19] =	dma.local [spmem:s31], $0x2800  }
0x98: {  	_ =	swait.ge [sflag:s17], $0x2800  }
0x99: {  	[sflag:s17] =	ssyncset.done $0x0  }
0x9a: {  	[sflag:s17] =	ssyncadd.s32 $0xFFFFD800  }
0x9b: {  	_ =	sfence.sel $0x180000  }
0x9c: {  	[bflag:$0x0] =	sbarrier.arrive $0xFFFF  }
0x9d: {  	p0 =	sne.s32 s0, $0x0;
	_ =	strace $0x9000004A  }
0x9e: {  	s0 =	sadd.s32 @!p0 $0x100000, s2;
	[bflag:$0x2] =	sbarrier.arrive $0xFFFF  }
0x9f: {  	[sflag:s0] =	ssyncadd.tile.s32 @!p0 $0x1;
	_ =	shalt  }
.Lfunc_end2:
_tile_overlayer_lowered:
.L_overlay_start_2:
0xa0: {  	(tag) =	ssettag $0x2  }
0xa1: {  	s0 =	rddreg [dreg:$0x0];
	s2 =	stileid.u32  }
0xa2: {  	s1 =	rddreg [dreg:$0x1];
	p0 =	sne.s32 s2, $0x0  }
0xa3: {  	s3 =	rddreg [dreg:$0x2];
	[bflag:$0x3] =	sbarrier.arrive $0xFFFF;
	s2 =	simm.s32 @!p0 $0x1C02  }
0xa4: {  	[timem:s3], [sflag:s2] =	dma.local @!p0 [hbm:s0], s1  }
0xa5: {  	s0 =	simm.s32 @!p0 $0x2  }
0xa6: {  	_ =	swait.ge @!p0 [sflag:s0], s1  }
0xa7: {  	s1 =	ssub.s32 @!p0 $0x0, s1;
	[sflag:s0] =	ssyncset.done @!p0 $0x0  }
0xa8: {  	[sflag:s0] =	ssyncadd.s32 @!p0 s1  }
0xa9: {  	[bflag:$0x3] =	sbarrier.arrive $0xFFFF  }
0xaa: {  	_ =	shalt  }

// kernel: kernel.14.cloned.1.call-start
scs
__scs_entry_jumppad:
0x0: {  	(pc) =	sbr.rel $0x88, $3  }
0x1: {  	(tag) =	ssettag $0x0;
	lr =	simm.s32 $0x1  }
0x2: {  	[smem:$0x3F96] =	sst lr;
	_ =	strace $0xD0000000  }
0x3: {  	_ = 	snop  }
0x4: {  	_ = 	snop  }
0x5: {  	_ = 	snop  }
0x6: {  	_ = 	snop  }
0x7: {  	_ = 	snop  }
__scs_overlays_trampoline_lowered:
0x8: {  	[smem:$0x3FA5] =	sst s0  }
0x9: {  	[smem:$0x3FA6] =	sst s1  }
0xa: {  	[smem:$0x3FA7] =	sst s2  }
0xb: {  	[smem:$0x3FA8] =	sst s3  }
0xc: {  	[smem:$0x3FA9] =	sst s4  }
0xd: {  	[smem:$0x3FAA] =	sst s5  }
0xe: {  	[smem:$0x3FAB] =	sst s6  }
0xf: {  	[smem:$0x3FAC] =	sst s7  }
0x10: {  	[smem:$0x3FAD] =	sst s8  }
0x11: {  	[smem:$0x3FAE] =	sst s9;
	s0 =	simm.s32 @!p0 $0x0  }
0x12: {  	s1 =	sld [smem:$0x3F94];
	s0 =	simm.s32 @p0 $0x1  }
0x13: {  	[smem:$0x3FAF] =	sst s0;
	s0 =	simm.s32 @!p1 $0x0  }
0x14: {  	s2 =	sld [smem:$0x3F93];
	s0 =	simm.s32 @p1 $0x1  }
0x15: {  	[smem:$0x3FB0] =	sst s0;
	s0 =	simm.s32 @!p2 $0x0  }
0x16: {  	s3 =	sld [smem:$0x3FDB];
	s0 =	simm.s32 @p2 $0x1  }
0x17: {  	s4 =	simm.s32 $0x1BF5;
	[smem:$0x3FB2] =	sst s0  }
0x18: {  	s0 =	sld [smem:$0x3F95];
	_ =	swait.ge [sflag:s4], $0x0  }
0x19: {  	s7 =	sld [smem:$0x3F96]  }
0x1a: {  	s8 =	sadd.s32 $0xFFFFE003, lr  }
0x1b: {  	s9 =	sadd.s32 $0xFFFFFEF7, lr;
	s5 =	simm.s32 $0xFFFFFFFF;
	p2 =	slt.u32 s8, $0xFFFFF086  }
0x1c: {  	p1 =	slt.u32 s9, $0xF7A;
	s5 =	simm.s32 @!p2 $0x0  }
0x1d: {  	s5 =	simm.s32 @p1 $0x1;
	p0 =	seq.s32 s7, s2  }
0x1e: {  	s7 =	smul.u32 @!p0 $0xF7A, s2;
	p2 =	seq.s32 @!p0 s5, $0x0  }
0x1f: {  	s9 =	smul.u32 $0xF7A, s1;
	s8 =	simm.s32 @!p0 $0x1BF5;
	p2 =	por !p2, p0  }
0x20: {  	[sflag:s8] =	ssyncset.s32 @!p0 $0xFFFFF086;
	s6 =	sadd.s32 @!p0 s3, s7;
	s7 =	simm.s32 @!p0 $0x108  }
0x21: {  	s3 =	sadd.s32 s3, s9;
	s6 =	sadd.s32 @!p0 $0x88, s6;
	s7 =	simm.s32 @p2 $0x1082  }
0x22: {  	[simem:s7], [sflag:s8] =	dma.local @!p0 [hbm:s6], $0xF7A  }
0x23: {  	s9 =	sor.u32 $0xD0000000, s2;
	s6 =	simm.s32 $0x108;
	_ =	swait.ge @!p0 [sflag:s8], $0x0  }
0x24: {  	s3 =	sadd.s32 $0x88, s3;
	s6 =	simm.s32 @!p1 $0x1082;
	[sflag:s4] =	ssyncset.s32 $0xFFFFF086  }
0x25: {  	[simem:s6], [sflag:s4] =	dma.local [hbm:s3], $0xF7A  }
0x26: {  	[smem:$0x3F96] =	sst s1;
	(tag) =	ssettag s2;
	_ =	strace s9  }
0x27: {  	s1 =	sld [smem:$0x3FA6]  }
0x28: {  	s2 =	sld [smem:$0x3FA7]  }
0x29: {  	s4 =	sld [smem:$0x3FA9]  }
0x2a: {  	p0 =	seq.s32 s5, $0x0;
	s5 =	sld [smem:$0x3FAA]  }
0x2b: {  	s6 =	sld [smem:$0x3FAB]  }
0x2c: {  	s7 =	sld [smem:$0x3FAC]  }
0x2d: {  	s3 =	simm.s32 $0x108;
	s8 =	sld [smem:$0x3FAD]  }
0x2e: {  	s3 =	simm.s32 @!p0 $0x1082;
	s9 =	sld [smem:$0x3FAE]  }
0x2f: {  	lr =	sadd.s32 s0, s3;
	s0 =	sld [smem:$0x3FA5]  }
0x30: {  	s3 =	sld [smem:$0x3FA8]  }
0x31: {  	[smem:$0x3FB1] =	sst s10  }
0x32: {  	s10 =	sld [smem:$0x3FAF];
	_ =	sdelay $0x3  }
0x33: {  	p0 =	seq.s32 s10, $0x1;
	s10 =	sld [smem:$0x3FB1];
	_ =	sdelay $0x3  }
0x34: {  	[smem:$0x3FB1] =	sst s10  }
0x35: {  	s10 =	sld [smem:$0x3FB0];
	_ =	sdelay $0x3  }
0x36: {  	p1 =	seq.s32 s10, $0x1;
	s10 =	sld [smem:$0x3FB1];
	_ =	sdelay $0x3  }
0x37: {  	[smem:$0x3FB1] =	sst s10  }
0x38: {  	s10 =	sld [smem:$0x3FB2]  }
0x39: {  	_ = 	snop;
	(pc) =	sbr.ind lr, $3  }
0x3a: {  	_ = 	snop  }
0x3b: {  	_ = 	snop  }
0x3c: {  	p2 =	seq.s32 s10, $0x1;
	s10 =	sld [smem:$0x3FB1]  }
0x3d: {  	_ =	shalt  }
0x3e: {  	_ =	shalt  }
0x3f: {  	_ =	shalt  }
0x40: {  	_ =	shalt  }
0x41: {  	_ =	shalt  }
0x42: {  	_ =	shalt  }
0x43: {  	_ =	shalt  }
0x44: {  	_ =	shalt  }
0x45: {  	_ =	shalt  }
0x46: {  	_ =	shalt  }
0x47: {  	_ =	shalt  }
0x48: {  	_ =	shalt  }
0x49: {  	_ =	shalt  }
0x4a: {  	_ =	shalt  }
0x4b: {  	_ =	shalt  }
0x4c: {  	_ =	shalt  }
0x4d: {  	_ =	shalt  }
0x4e: {  	_ =	shalt  }
0x4f: {  	_ =	shalt  }
0x50: {  	_ =	shalt  }
0x51: {  	_ =	shalt  }
0x52: {  	_ =	shalt  }
0x53: {  	_ =	shalt  }
0x54: {  	_ =	shalt  }
0x55: {  	_ =	shalt  }
0x56: {  	_ =	shalt  }
0x57: {  	_ =	shalt  }
0x58: {  	_ =	shalt  }
0x59: {  	_ =	shalt  }
0x5a: {  	_ =	shalt  }
0x5b: {  	_ =	shalt  }
0x5c: {  	_ =	shalt  }
0x5d: {  	_ =	shalt  }
0x5e: {  	_ =	shalt  }
0x5f: {  	_ =	shalt  }
0x60: {  	_ =	shalt  }
0x61: {  	_ =	shalt  }
0x62: {  	_ =	shalt  }
0x63: {  	_ =	shalt  }
0x64: {  	_ =	shalt  }
0x65: {  	_ =	shalt  }
0x66: {  	_ =	shalt  }
0x67: {  	_ =	shalt  }
0x68: {  	_ =	shalt  }
0x69: {  	_ =	shalt  }
0x6a: {  	_ =	shalt  }
0x6b: {  	_ =	shalt  }
0x6c: {  	_ =	shalt  }
0x6d: {  	_ =	shalt  }
0x6e: {  	_ =	shalt  }
0x6f: {  	_ =	shalt  }
0x70: {  	_ =	shalt  }
0x71: {  	_ =	shalt  }
0x72: {  	_ =	shalt  }
0x73: {  	_ =	shalt  }
0x74: {  	_ =	shalt  }
0x75: {  	_ =	shalt  }
0x76: {  	_ =	shalt  }
0x77: {  	_ =	shalt  }
0x78: {  	_ =	shalt  }
0x79: {  	_ =	shalt  }
0x7a: {  	_ =	shalt  }
0x7b: {  	_ =	shalt  }
0x7c: {  	_ =	shalt  }
0x7d: {  	_ =	shalt  }
0x7e: {  	_ =	shalt  }
0x7f: {  	_ =	shalt  }
0x80: {  	_ =	shalt  }
0x81: {  	_ =	shalt  }
0x82: {  	_ =	shalt  }
0x83: {  	_ =	shalt  }
0x84: {  	_ =	shalt  }
0x85: {  	_ =	shalt  }
0x86: {  	_ =	shalt  }
0x87: {  	_ =	shalt  }
.Lfunc_end0:
.L_simem_size_0:
called_computation.2_lowered:
.L_overlay_start_0:
0x88: {  	s2 =	sld [smem:$0x3FD9]  }
0x89: {  	s3 =	sld [smem:$0x3FFE];
	_ =	sdelay $0x1  }
0x8a: {  	s1 =	srdreg.scid  }
0x8b: {  	s0 =	sand.u32 $0x1, s1  }
0x8c: {  	s17 =	sshll.u32 s0, $0xA;
	s2 =	sadd.s32 s3, s2  }
0x8d: {  	s2 =	sadd.s32 s2, s17  }
0x8e: {  	[smem:$0x3FBD] =	sst s2  }
0x8f: {  	_ = 	snop  }
0x90: {  	s2 =	sld [smem:$0x3FD0];
	(tm) =	ssettm $0x1  }
0x91: {  	s18 =	sld [smem:$0x3FFB];
	_ =	sdelay $0x3  }
0x92: {  	_ =	strace s18  }
0x93: {  	s3 =	sld [smem:$0x3FFC];
	_ =	sdelay $0x3  }
0x94: {  	_ =	strace s3  }
0x95: {  	s3 =	sld [smem:$0x3FFD];
	_ =	sdelay $0x3  }
0x96: {  	_ =	strace s3  }
0x97: {  	_ =	strace $0x8FFFFFFF  }
0x98: {  	s19 =	sld [smem:$0x3FDB];
	_ =	sdelay $0x1  }
0x99: {  	s4 =	simm.s32 $_scs_section_size  }
0x9a: {  	s5 =	simm.s32 $_size__tile_overlayer_lowered;
	s6 =	simm.s32 $_tile_overlayer_lowered  }
0x9b: {  	s22 =	simm.s32 $0x1BFF;
	s21 =	sshll.u32 s6, $0x1;
	s3 =	sadd.s32 s4, s19  }
0x9c: {  	s7 =	simm.s32 $0x0;
	s20 =	sshll.u32 s5, $0x1;
	s5 =	sadd.s32 s21, s3  }
0x9d: {  	[timem:s7], [sflag:s22] =	dma.local [hbm:s5], s20  }
0x9e: {  	_ =	swait.ge [sflag:s22], s20  }
0x9f: {  	s4 =	ssub.s32 $0x0, s20;
	[sflag:s22] =	ssyncset.done $0x0  }
0xa0: {  	[sflag:s22] =	ssyncadd.s32 s4;
	_ =	sdelay $0x1  }
0xa1: {  	s23 =	simm.s32 $0x1B8B  }
0xa2: {  	_ =	swait.ge [sflag:s23], $0x1  }
0xa3: {  	[sflag:s23] =	ssyncset.done $0x0  }
0xa4: {  	s25 =	simm.s32 $0x1B8E;
	s24 =	sld [smem:$0x3FFE];
	[sflag:s23] =	ssyncadd.s32 $0xFFFFFFFF  }
0xa5: {  	s26 =	simm.s32 $execute0_lowered;
	[smem:$0x3FD2] =	sst s25  }
0xa6: {  	s5 =	sshll.u32 s26, $0x1;
	_ =	strace $0x8000004C;
	[dreg:$0x1] =	wrdreg $0xFFFFFFFF  }
0xa7: {  	s28 =	simm.s32 $_size_execute0_lowered;
	s3 =	sadd.s32 s3, s5;
	[dreg:$0x0] =	wrdreg $0x0  }
0xa8: {  	s5 =	sshll.u32 s28, $0x1;
	[dreg:$0x2] =	wrdreg s3  }
0xa9: {  	[dreg:$0x3] =	wrdreg s5  }
0xaa: {  	[dreg:$0x4] =	wrdreg $0xC0  }
0xab: {  	_ =	task [dreg:s7], $0x5FFFF  }
0xac: {  	[dreg:$0x1] =	wrdreg $0xFFFFFFFF  }
0xad: {  	[dreg:$0x0] =	wrdreg $0x60  }
0xae: {  	[dreg:$0x2] =	wrdreg s2  }
0xaf: {  	[dreg:$0x3] =	wrdreg s24  }
0xb0: {  	[dreg:$0x4] =	wrdreg $0x0  }
0xb1: {  	[dreg:$0x5] =	wrdreg $0x140000  }
0xb2: {  	[dreg:$0x6] =	wrdreg $0x9  }
0xb3: {  	_ =	task.clear_ibuf [dreg:s7], $0x7FFFF;
	_ =	strace $0x9000004C  }
0xb4: {  	s29 =	simm.s32 $0x9;
	_ =	strace $0x8000004E  }
0xb5: {  	_ =	swait.ge [sflag:s29], $0x1  }
0xb6: {  	[sflag:s29] =	ssyncadd.s32 $0xFFFFFFFF  }
0xb7: {  	_ =	strace $0x9000004E  }
0xb8: {  	_ =	sfence  }
0xb9: {  	s30 =	sld [smem:$0x0];
	_ =	sdelay $0x2  }
0xba: {  	s31 =	sshll.u32 s1, $0xD;
	s1 =	sshrl.u32 s1, $0x2  }
0xbb: {  	s3 =	sand.u32 $0x4000, s31;
	s1 =	sadd.s32 s1, s30  }
0xbc: {  	s0 =	sor.u32 s3, s0;
	s1 =	sshll.u32 s1, $0x11  }
0xbd: {  	s0 =	sor.u32 s1, s0  }
0xbe: {  	s0 =	sadd.s32 $0x8F2B, s0  }
0xbf: {  	[sflag:s0] =	ssyncadd.remote.s32 $0x1  }
0xc0: {  	_ =	sfence.sel $0xFFFF  }
0xc1: {  	[dreg:$0x0] =	wrdreg $0xFFFFFFFF;
	(pc) =	sbr.abs _section_cstart, $3  }
0xc2: {  	[dreg:$0x1] =	wrdreg $0xFFFFFFFF  }
0xc3: {  	_ =	task.clear_ibuf [dreg:s7], $0x2FFFF;
	_ =	strace $0x9FFFFFFF  }
0xc4: {  	(tm) =	ssettm $0x7FFFFFFF  }
0xc5: {  	_ =	shalt  }
tec
execute0_lowered:
.L_overlay_start_1:
0x0: {  	(tag) =	ssettag $0x1  }
0x1: {  	s1 =	rddreg [dreg:$0x0]  }
0x2: {  	s5 =	rddreg [dreg:$0x1]  }
0x3: {  	s3 =	rddreg [dreg:$0x2]  }
0x4: {  	s11 =	rddreg [dreg:$0x3];
	s0 =	stileid.u32  }
0x5: {  	s4 =	srdreg.scid;
	s6 =	smul.u32 $0x37, s0  }
0x6: {  	s2 =	rddreg [dreg:$0x4];
	s10 =	simm.s32 $0x67;
	s8 =	smul.u32 $0x67, s0  }
0x7: {  	s16 =	simm.s32 $0x14280;
	s17 =	simm.s32 $0x2;
	s12 =	smul.u32 $0x280, s0  }
0x8: {  	s18 =	simm.s32 $0x18380;
	s7 =	sand.u32 $0x1, s4;
	s9 =	smul.u32 $0x50000, s0  }
0x9: {  	s4 =	simm.s32 $0x0;
	p0 =	seq.s32 s7, $0x0;
	s28 =	smul.u32 $0x2800, s7  }
0xa: {  	[smem:$0x7FF] =	sst s4;
	s7 =	ssub.s32 $0x2, s7;
	s6 =	sadd.s32 $0x670, s6  }
0xb: {  	_ =	strace $0x8000004D;
	s30 =	sshrl.u32 s9, $0x2;
	s6 =	smov.u32 @p0 s8  }
0xc: {  	s31 =	sshrl.u32 s7, $0x1;
	s29 =	sadd.s32 s12, s28;
	s6 =	sshll.u32 s6, $0x4  }
0xd: {  	s11 =	sadd.s32 s12, s11;
	s15 =	sadd.s32 s6, s5;
	s6 =	sshll.u32 s29, $0x4  }
0xe: {  	s10 =	simm.s32 @!p0 $0x37;
	s13 =	sadd.s32 s6, s5;
	s5 =	sadd.s32 s30, s3  }
0xf: {  	s14 =	ssub.s32 s7, s31;
	s6 =	sadd.s32 $0x4000, s5;
	s7 =	sadd.s32 $0x8000, s5  }
0x10: {  	s8 =	sadd.s32 $0xC000, s5;
	s9 =	sadd.s32 $0x10000, s5;
	s12 =	sadd.s32 $0x17400, s13  }
0x11: {  	v0 =	vimm.f32 $0.0e+00;
	s13 =	smax.u32 s14, $0x1;
	s14 =	sadd.s32 $0x3800, s15;
	s15 =	sadd.s32 $0xD600, s15  }
.LBB2_1:
0x12: {  	s19 =	simm.s32 $0x0;
	s20 =	simm.s32 $0x200  }
.LBB2_2:
0x13: {  	p0 =	sne.s32 s20, $0xFE00;
	[tilespmem:s19+$0x142F0] =	vst v0  }
0x14: {  	[tilespmem:s19+$0x14280] =	vst v0  }
0x15: {  	[tilespmem:s19+$0x14290] =	vst v0  }
.Ltmp0:
0x16: {  	[tilespmem:s19+$0x142A0] =	vst v0;
	(pc) =	sbr.rel @p0 .LBB2_2-.Ltmp0, $4  }
0x17: {  	[tilespmem:s19+$0x142B0] =	vst v0  }
0x18: {  	[tilespmem:s19+$0x142C0] =	vst v0  }
0x19: {  	[tilespmem:s19+$0x142D0] =	vst v0  }
0x1a: {  	[tilespmem:s19+$0x142E0] =	vst v0;
	s19 =	sshra.s32 s20, $0x2;
	s20 =	sadd.s32 $0x200, s20  }
0x1b: {  	[tilespmem:s19+$0x142F0] =	vst v0  }
0x1c: {  	[tilespmem:s19+$0x14280] =	vst v0  }
0x1d: {  	[tilespmem:s19+$0x14290] =	vst v0  }
0x1e: {  	[tilespmem:s19+$0x142A0] =	vst v0  }
0x1f: {  	[tilespmem:s19+$0x142B0] =	vst v0  }
0x20: {  	[tilespmem:s19+$0x142C0] =	vst v0  }
0x21: {  	[tilespmem:s19+$0x142D0] =	vst v0  }
0x22: {  	[tilespmem:s19+$0x142E0] =	vst v0  }
0x23: {  	[tilespmem:$0x18380] =	vst v0  }
0x24: {  	[tilespmem:$0x18390] =	vst v0  }
0x25: {  	[tilespmem:$0x183A0] =	vst v0  }
0x26: {  	[tilespmem:$0x183B0] =	vst v0  }
0x27: {  	[tilespmem:$0x183C0] =	vst v0  }
0x28: {  	[tilespmem:$0x183D0] =	vst v0  }
0x29: {  	[tilespmem:$0x183E0] =	vst v0  }
0x2a: {  	[tilespmem:$0x183F0] =	vst v0  }
0x2b: {  	[tilespmem:$0x18400] =	vst v0  }
0x2c: {  	[tilespmem:$0x18410] =	vst v0  }
0x2d: {  	[tilespmem:$0x18420] =	vst v0  }
0x2e: {  	[tilespmem:$0x18430] =	vst v0  }
0x2f: {  	[tilespmem:$0x18440] =	vst v0  }
0x30: {  	[tilespmem:$0x18450] =	vst v0  }
0x31: {  	[tilespmem:$0x18460] =	vst v0  }
0x32: {  	[tilespmem:$0x18470] =	vst v0  }
0x33: {  	[tilespmem:$0x18480] =	vst v0  }
0x34: {  	[tilespmem:$0x18490] =	vst v0  }
0x35: {  	[tilespmem:$0x184A0] =	vst v0  }
0x36: {  	[tilespmem:$0x184B0] =	vst v0  }
0x37: {  	[tilespmem:$0x184C0] =	vst v0  }
0x38: {  	[tilespmem:$0x184D0] =	vst v0  }
0x39: {  	[tilespmem:$0x184E0] =	vst v0  }
0x3a: {  	[tilespmem:$0x184F0] =	vst v0  }
0x3b: {  	[tilespmem:$0x18500] =	vst v0  }
0x3c: {  	[tilespmem:$0x18510] =	vst v0  }
0x3d: {  	[tilespmem:$0x18520] =	vst v0  }
0x3e: {  	[tilespmem:$0x18530] =	vst v0  }
0x3f: {  	[tilespmem:$0x18540] =	vst v0  }
0x40: {  	[tilespmem:$0x18550] =	vst v0  }
0x41: {  	[tilespmem:$0x18560] =	vst v0  }
0x42: {  	[tilespmem:$0x18570] =	vst v0  }
0x43: {  	[tilespmem:$0x18580] =	vst v0  }
0x44: {  	[tilespmem:$0x18590] =	vst v0  }
0x45: {  	[tilespmem:$0x185A0] =	vst v0  }
0x46: {  	[tilespmem:$0x185B0] =	vst v0  }
0x47: {  	[tilespmem:$0x185C0] =	vst v0  }
0x48: {  	[tilespmem:$0x185D0] =	vst v0  }
0x49: {  	[tilespmem:$0x185E0] =	vst v0  }
0x4a: {  	[tilespmem:$0x185F0] =	vst v0  }
0x4b: {  	[spmem:s5] =	stream.linear.scatter [tilespmem:s16], [sflag:$0x2], $0x4000, $0x38;
	[tilespmem:$0x18600] =	vst v63  }
0x4c: {  	_ =	swait.ge [sflag:s17], $0x4000  }
0x4d: {  	[sflag:s17] =	ssyncset.done $0x0  }
0x4e: {  	[sflag:s17] =	ssyncadd.s32 $0xFFFFC000  }
0x4f: {  	[spmem:s6] =	stream.linear.scatter [tilespmem:s16], [sflag:$0x2], $0x4000, $0x38;
	[tilespmem:$0x18600] =	vst v63  }
0x50: {  	_ =	swait.ge [sflag:s17], $0x4000  }
0x51: {  	[sflag:s17] =	ssyncset.done $0x0  }
0x52: {  	[sflag:s17] =	ssyncadd.s32 $0xFFFFC000  }
0x53: {  	[spmem:s7] =	stream.linear.scatter [tilespmem:s16], [sflag:$0x2], $0x4000, $0x38;
	[tilespmem:$0x18600] =	vst v63  }
0x54: {  	_ =	swait.ge [sflag:s17], $0x4000  }
0x55: {  	[sflag:s17] =	ssyncset.done $0x0  }
0x56: {  	[sflag:s17] =	ssyncadd.s32 $0xFFFFC000  }
0x57: {  	[spmem:s8] =	stream.linear.scatter [tilespmem:s16], [sflag:$0x2], $0x4000, $0x38;
	[tilespmem:$0x18600] =	vst v63  }
0x58: {  	_ =	swait.ge [sflag:s17], $0x4000  }
0x59: {  	[sflag:s17] =	ssyncset.done $0x0  }
0x5a: {  	[sflag:s17] =	ssyncadd.s32 $0xFFFFC000  }
0x5b: {  	[spmem:s9] =	stream.linear.scatter [tilespmem:s16], [sflag:$0x2], $0x4000, $0x38;
	[tilespmem:$0x18600] =	vst v63  }
0x5c: {  	_ =	swait.ge [sflag:s17], $0x4000  }
0x5d: {  	[sflag:s17] =	ssyncset.done $0x0  }
0x5e: {  	[sflag:s17] =	ssyncadd.s32 $0xFFFFC000  }
0x5f: {  	[spmem:s11] =	stream.linear.scatter [tilespmem:s18], [sflag:$0x2], $0x280, $0x38;
	[tilespmem:$0x18600] =	vst v63  }
0x60: {  	_ =	swait.ge [sflag:s17], $0x280  }
0x61: {  	p0 =	sle.u32 s10, $0x0;
	[sflag:s17] =	ssyncset.done $0x0  }
0x62: {  	s19 =	simm.s32 @!p0 $0x0;
	[sflag:s17] =	ssyncadd.s32 $0xFFFFFD80  }
0x63: {  	s20 =	simm.s32 @!p0 $0x18280;
	s21 =	simm.s32 @!p0 $0x3;
	[bflag:$0x0] =	sbarrier.arrive $0xFFFF  }
0x64: {  	[tilespmem:s20], [sflag:$0x3] =	stream.linear.gather @!p0 [hbm4b:s15+s19], $0x80, $0x38;
	[tilespmem:$0x18600] =	vst v63  }
0x65: {  	_ =	swait.ge @!p0 [sflag:s21], $0x80;
	p0 =	por p0, p0  }
0x66: {  	[sflag:s21] =	ssyncset.done @!p0 $0x0  }
0x67: {  	s22 =	simm.s32 @!p0 $0x18300;
	[sflag:s21] =	ssyncadd.s32 @!p0 $0xFFFFFF80  }
0x68: {  	[tilespmem:s22], [sflag:$0x3] =	stream.linear.gather @!p0 [hbm4b:s14+s19], $0x80, $0x38;
	[tilespmem:$0x18600] =	vst v63  }
0x69: {  	_ =	swait.ge @!p0 [sflag:s21], $0x80  }
0x6a: {  	s23 =	simm.s32 @!p0 $0x14280;
	[sflag:s21] =	ssyncset.done @!p0 $0x0  }
0x6b: {  	s19 =	simm.s32 @!p0 $0x1;
	[sflag:s21] =	ssyncadd.s32 @!p0 $0xFFFFFF80;
	s21 =	simm.s32 @!p0 $0x80  }
0x6c: {  	[tilespmem:s23], [sflag:$0x1] =	stream.indirect.gather @!p0 [hbm4b:s1+s21], $0x80, s20, s21, $0xb8;
	[tilespmem:$0x18600] =	vst v63  }
0x6d: {  	_ =	swait.ge @!p0 [sflag:s19], $0x4000  }
0x6e: {  	[sflag:s19] =	ssyncset.done @!p0 $0x0  }
0x6f: {  	[sflag:s19] =	ssyncadd.s32 @!p0 $0xFFFFC000  }
0x70: {  	[spmem:s3] =	stream.indirect.scatter.add.f32 @!p0 [tilespmem:s23], [sflag:$0x2], $0x80, s22, s21, $0xb8;
	[tilespmem:$0x18600] =	vst v63  }
0x71: {  	p2 =	sle.u32 s10, $0x1;
	s20 =	sadd.s32 $0x10, s15;
	s22 =	simm.s32 @!p0 $0x2  }
0x72: {  	s19 =	sadd.s32 $0x10, s14;
	s21 =	simm.s32 $0x2;
	_ =	swait.ge @!p0 [sflag:s22], $0x4000  }
.LBB2_4:
0x73: {  	s23 =	simm.s32 @!p2 $0x0  }
0x74: {  	s24 =	simm.s32 @!p2 $0x18280;
	[sflag:s22] =	ssyncset.done @!p0 $0x0;
	s25 =	smov.u32 s21  }
0x75: {  	s21 =	sadd.s32 $0x1, s21;
	s26 =	simm.s32 @!p2 $0x3;
	[sflag:s22] =	ssyncadd.s32 @!p0 $0xFFFFC000  }
0x76: {  	[tilespmem:s24], [sflag:$0x3] =	stream.linear.gather @!p2 [hbm4b:s20+s23], $0x80, $0x38;
	[tilespmem:$0x18600] =	vst v63  }
0x77: {  	p1 =	sne.s32 s21, $0x67;
	p0 =	por p2, p2;
	_ =	swait.ge @!p2 [sflag:s26], $0x80  }
0x78: {  	[sflag:s26] =	ssyncset.done @!p0 $0x0  }
0x79: {  	s28 =	simm.s32 @!p0 $0x18300;
	[sflag:s26] =	ssyncadd.s32 @!p0 $0xFFFFFF80  }
0x7a: {  	[tilespmem:s28], [sflag:$0x3] =	stream.linear.gather @!p0 [hbm4b:s19+s23], $0x80, $0x38;
	[tilespmem:$0x18600] =	vst v63  }
0x7b: {  	_ =	swait.ge @!p0 [sflag:s26], $0x80  }
0x7c: {  	s22 =	simm.s32 @!p0 $0x1;
	[sflag:s26] =	ssyncset.done @!p0 $0x0  }
0x7d: {  	s23 =	simm.s32 @!p0 $0x80;
	[sflag:s26] =	ssyncadd.s32 @!p0 $0xFFFFFF80;
	s26 =	simm.s32 @!p0 $0x14280  }
0x7e: {  	[tilespmem:s26], [sflag:$0x1] =	stream.indirect.gather @!p0 [hbm4b:s1+s23], $0x80, s24, s23, $0xb8;
	[tilespmem:$0x18600] =	vst v63  }
.Ltmp1:
0x7f: {  	_ =	swait.ge @!p0 [sflag:s22], $0x4000;
	(pc) =	sbr.rel @p1 .LBB2_4-.Ltmp1, $4  }
0x80: {  	[sflag:s22] =	ssyncset.done @!p0 $0x0  }
0x81: {  	s20 =	sadd.s32 $0x10, s20;
	[sflag:s22] =	ssyncadd.s32 @!p0 $0xFFFFC000;
	s22 =	simm.s32 @!p0 $0x2  }
0x82: {  	[spmem:s3] =	stream.indirect.scatter.add.f32 @!p0 [tilespmem:s26], [sflag:$0x2], $0x80, s28, s23, $0xb8;
	[tilespmem:$0x18600] =	vst v63  }
0x83: {  	p2 =	sge.u32 s25, s10;
	s19 =	sadd.s32 $0x10, s19;
	_ =	swait.ge @!p0 [sflag:s22], $0x4000  }
0x84: {  	s21 =	simm.s32 @!p2 $0x0;
	[sflag:s22] =	ssyncset.done @!p0 $0x0  }
0x85: {  	s23 =	simm.s32 @!p2 $0x18280;
	s24 =	simm.s32 @!p2 $0x3;
	[sflag:s22] =	ssyncadd.s32 @!p0 $0xFFFFC000  }
0x86: {  	[tilespmem:s23], [sflag:$0x3] =	stream.linear.gather @!p2 [hbm4b:s20+s21], $0x80, $0x38;
	[tilespmem:$0x18600] =	vst v63  }
0x87: {  	p0 =	por p2, p2;
	_ =	swait.ge @!p2 [sflag:s24], $0x80  }
0x88: {  	[sflag:s24] =	ssyncset.done @!p0 $0x0  }
0x89: {  	s20 =	simm.s32 @!p0 $0x18300;
	[sflag:s24] =	ssyncadd.s32 @!p0 $0xFFFFFF80  }
0x8a: {  	[tilespmem:s20], [sflag:$0x3] =	stream.linear.gather @!p0 [hbm4b:s19+s21], $0x80, $0x38;
	[tilespmem:$0x18600] =	vst v63  }
0x8b: {  	_ =	swait.ge @!p0 [sflag:s24], $0x80  }
0x8c: {  	s22 =	simm.s32 @!p0 $0x14280;
	[sflag:s24] =	ssyncset.done @!p0 $0x0  }
0x8d: {  	s19 =	simm.s32 @!p0 $0x1;
	s21 =	simm.s32 @!p0 $0x80;
	[sflag:s24] =	ssyncadd.s32 @!p0 $0xFFFFFF80  }
0x8e: {  	[tilespmem:s22], [sflag:$0x1] =	stream.indirect.gather @!p0 [hbm4b:s1+s21], $0x80, s23, s21, $0xb8;
	[tilespmem:$0x18600] =	vst v63  }
0x8f: {  	_ =	swait.ge @!p0 [sflag:s19], $0x4000  }
0x90: {  	[sflag:s19] =	ssyncset.done @!p0 $0x0  }
0x91: {  	[sflag:s19] =	ssyncadd.s32 @!p0 $0xFFFFC000;
	s19 =	simm.s32 @!p0 $0x2  }
0x92: {  	[spmem:s3] =	stream.indirect.scatter.add.f32 @!p0 [tilespmem:s22], [sflag:$0x2], $0x80, s20, s21, $0xb8;
	[tilespmem:$0x18600] =	vst v63  }
0x93: {  	_ =	swait.ge @!p0 [sflag:s19], $0x4000  }
0x94: {  	s30 =	sshll.u32 s0, $0x6;
	s4 =	sadd.s32 $0x1, s4;
	[sflag:s19] =	ssyncset.done @!p0 $0x0  }
0x95: {  	s31 =	sshrl.u32 s5, $0x3;
	[sflag:s19] =	ssyncadd.s32 @!p0 $0xFFFFC000;
	p0 =	sne.s32 s4, s13  }
.Ltmp2:
0x96: {  	s19 =	sor.u32 $0x1C02, s30;
	[bflag:$0x0] =	sbarrier.arrive $0xFFFF;
	(pc) =	sbr.rel @p0 .LBB2_1-.Ltmp2, $4  }
0x97: {  	[hbm:s12], [sflag:s19] =	dma.local [spmem:s31], $0x2800  }
0x98: {  	_ =	swait.ge [sflag:s17], $0x2800  }
0x99: {  	[sflag:s17] =	ssyncset.done $0x0  }
0x9a: {  	[sflag:s17] =	ssyncadd.s32 $0xFFFFD800  }
0x9b: {  	_ =	sfence.sel $0x180000  }
0x9c: {  	[bflag:$0x0] =	sbarrier.arrive $0xFFFF  }
0x9d: {  	p0 =	sne.s32 s0, $0x0;
	_ =	strace $0x9000004D  }
0x9e: {  	s0 =	sadd.s32 @!p0 $0x100000, s2;
	[bflag:$0x2] =	sbarrier.arrive $0xFFFF  }
0x9f: {  	[sflag:s0] =	ssyncadd.tile.s32 @!p0 $0x1;
	_ =	shalt  }
.Lfunc_end2:
_tile_overlayer_lowered:
.L_overlay_start_2:
0xa0: {  	(tag) =	ssettag $0x2  }
0xa1: {  	s0 =	rddreg [dreg:$0x0];
	s2 =	stileid.u32  }
0xa2: {  	s1 =	rddreg [dreg:$0x1];
	p0 =	sne.s32 s2, $0x0  }
0xa3: {  	s3 =	rddreg [dreg:$0x2];
	[bflag:$0x3] =	sbarrier.arrive $0xFFFF;
	s2 =	simm.s32 @!p0 $0x1C02  }
0xa4: {  	[timem:s3], [sflag:s2] =	dma.local @!p0 [hbm:s0], s1  }
0xa5: {  	s0 =	simm.s32 @!p0 $0x2  }
0xa6: {  	_ =	swait.ge @!p0 [sflag:s0], s1  }
0xa7: {  	s1 =	ssub.s32 @!p0 $0x0, s1;
	[sflag:s0] =	ssyncset.done @!p0 $0x0  }
0xa8: {  	[sflag:s0] =	ssyncadd.s32 @!p0 s1  }
0xa9: {  	[bflag:$0x3] =	sbarrier.arrive $0xFFFF  }
0xaa: {  	_ =	shalt  }

// kernel: kernel.8.cloned.1.call-start
scs
__scs_entry_jumppad:
0x0: {  	(pc) =	sbr.rel $0x88, $3  }
0x1: {  	(tag) =	ssettag $0x0;
	lr =	simm.s32 $0x1  }
0x2: {  	[smem:$0x3F96] =	sst lr;
	_ =	strace $0xD0000000  }
0x3: {  	_ = 	snop  }
0x4: {  	_ = 	snop  }
0x5: {  	_ = 	snop  }
0x6: {  	_ = 	snop  }
0x7: {  	_ = 	snop  }
__scs_overlays_trampoline_lowered:
0x8: {  	[smem:$0x3FA5] =	sst s0  }
0x9: {  	[smem:$0x3FA6] =	sst s1  }
0xa: {  	[smem:$0x3FA7] =	sst s2  }
0xb: {  	[smem:$0x3FA8] =	sst s3  }
0xc: {  	[smem:$0x3FA9] =	sst s4  }
0xd: {  	[smem:$0x3FAA] =	sst s5  }
0xe: {  	[smem:$0x3FAB] =	sst s6  }
0xf: {  	[smem:$0x3FAC] =	sst s7  }
0x10: {  	[smem:$0x3FAD] =	sst s8  }
0x11: {  	[smem:$0x3FAE] =	sst s9;
	s0 =	simm.s32 @!p0 $0x0  }
0x12: {  	s1 =	sld [smem:$0x3F94];
	s0 =	simm.s32 @p0 $0x1  }
0x13: {  	[smem:$0x3FAF] =	sst s0;
	s0 =	simm.s32 @!p1 $0x0  }
0x14: {  	s2 =	sld [smem:$0x3F93];
	s0 =	simm.s32 @p1 $0x1  }
0x15: {  	[smem:$0x3FB0] =	sst s0;
	s0 =	simm.s32 @!p2 $0x0  }
0x16: {  	s3 =	sld [smem:$0x3FDB];
	s0 =	simm.s32 @p2 $0x1  }
0x17: {  	s4 =	simm.s32 $0x1BF5;
	[smem:$0x3FB2] =	sst s0  }
0x18: {  	s0 =	sld [smem:$0x3F95];
	_ =	swait.ge [sflag:s4], $0x0  }
0x19: {  	s7 =	sld [smem:$0x3F96]  }
0x1a: {  	s8 =	sadd.s32 $0xFFFFE003, lr  }
0x1b: {  	s9 =	sadd.s32 $0xFFFFFEF7, lr;
	s5 =	simm.s32 $0xFFFFFFFF;
	p2 =	slt.u32 s8, $0xFFFFF086  }
0x1c: {  	p1 =	slt.u32 s9, $0xF7A;
	s5 =	simm.s32 @!p2 $0x0  }
0x1d: {  	s5 =	simm.s32 @p1 $0x1;
	p0 =	seq.s32 s7, s2  }
0x1e: {  	s7 =	smul.u32 @!p0 $0xF7A, s2;
	p2 =	seq.s32 @!p0 s5, $0x0  }
0x1f: {  	s9 =	smul.u32 $0xF7A, s1;
	s8 =	simm.s32 @!p0 $0x1BF5;
	p2 =	por !p2, p0  }
0x20: {  	[sflag:s8] =	ssyncset.s32 @!p0 $0xFFFFF086;
	s6 =	sadd.s32 @!p0 s3, s7;
	s7 =	simm.s32 @!p0 $0x108  }
0x21: {  	s3 =	sadd.s32 s3, s9;
	s6 =	sadd.s32 @!p0 $0x88, s6;
	s7 =	simm.s32 @p2 $0x1082  }
0x22: {  	[simem:s7], [sflag:s8] =	dma.local @!p0 [hbm:s6], $0xF7A  }
0x23: {  	s9 =	sor.u32 $0xD0000000, s2;
	s6 =	simm.s32 $0x108;
	_ =	swait.ge @!p0 [sflag:s8], $0x0  }
0x24: {  	s3 =	sadd.s32 $0x88, s3;
	s6 =	simm.s32 @!p1 $0x1082;
	[sflag:s4] =	ssyncset.s32 $0xFFFFF086  }
0x25: {  	[simem:s6], [sflag:s4] =	dma.local [hbm:s3], $0xF7A  }
0x26: {  	[smem:$0x3F96] =	sst s1;
	(tag) =	ssettag s2;
	_ =	strace s9  }
0x27: {  	s1 =	sld [smem:$0x3FA6]  }
0x28: {  	s2 =	sld [smem:$0x3FA7]  }
0x29: {  	s4 =	sld [smem:$0x3FA9]  }
0x2a: {  	p0 =	seq.s32 s5, $0x0;
	s5 =	sld [smem:$0x3FAA]  }
0x2b: {  	s6 =	sld [smem:$0x3FAB]  }
0x2c: {  	s7 =	sld [smem:$0x3FAC]  }
0x2d: {  	s3 =	simm.s32 $0x108;
	s8 =	sld [smem:$0x3FAD]  }
0x2e: {  	s3 =	simm.s32 @!p0 $0x1082;
	s9 =	sld [smem:$0x3FAE]  }
0x2f: {  	lr =	sadd.s32 s0, s3;
	s0 =	sld [smem:$0x3FA5]  }
0x30: {  	s3 =	sld [smem:$0x3FA8]  }
0x31: {  	[smem:$0x3FB1] =	sst s10  }
0x32: {  	s10 =	sld [smem:$0x3FAF];
	_ =	sdelay $0x3  }
0x33: {  	p0 =	seq.s32 s10, $0x1;
	s10 =	sld [smem:$0x3FB1];
	_ =	sdelay $0x3  }
0x34: {  	[smem:$0x3FB1] =	sst s10  }
0x35: {  	s10 =	sld [smem:$0x3FB0];
	_ =	sdelay $0x3  }
0x36: {  	p1 =	seq.s32 s10, $0x1;
	s10 =	sld [smem:$0x3FB1];
	_ =	sdelay $0x3  }
0x37: {  	[smem:$0x3FB1] =	sst s10  }
0x38: {  	s10 =	sld [smem:$0x3FB2]  }
0x39: {  	_ = 	snop;
	(pc) =	sbr.ind lr, $3  }
0x3a: {  	_ = 	snop  }
0x3b: {  	_ = 	snop  }
0x3c: {  	p2 =	seq.s32 s10, $0x1;
	s10 =	sld [smem:$0x3FB1]  }
0x3d: {  	_ =	shalt  }
0x3e: {  	_ =	shalt  }
0x3f: {  	_ =	shalt  }
0x40: {  	_ =	shalt  }
0x41: {  	_ =	shalt  }
0x42: {  	_ =	shalt  }
0x43: {  	_ =	shalt  }
0x44: {  	_ =	shalt  }
0x45: {  	_ =	shalt  }
0x46: {  	_ =	shalt  }
0x47: {  	_ =	shalt  }
0x48: {  	_ =	shalt  }
0x49: {  	_ =	shalt  }
0x4a: {  	_ =	shalt  }
0x4b: {  	_ =	shalt  }
0x4c: {  	_ =	shalt  }
0x4d: {  	_ =	shalt  }
0x4e: {  	_ =	shalt  }
0x4f: {  	_ =	shalt  }
0x50: {  	_ =	shalt  }
0x51: {  	_ =	shalt  }
0x52: {  	_ =	shalt  }
0x53: {  	_ =	shalt  }
0x54: {  	_ =	shalt  }
0x55: {  	_ =	shalt  }
0x56: {  	_ =	shalt  }
0x57: {  	_ =	shalt  }
0x58: {  	_ =	shalt  }
0x59: {  	_ =	shalt  }
0x5a: {  	_ =	shalt  }
0x5b: {  	_ =	shalt  }
0x5c: {  	_ =	shalt  }
0x5d: {  	_ =	shalt  }
0x5e: {  	_ =	shalt  }
0x5f: {  	_ =	shalt  }
0x60: {  	_ =	shalt  }
0x61: {  	_ =	shalt  }
0x62: {  	_ =	shalt  }
0x63: {  	_ =	shalt  }
0x64: {  	_ =	shalt  }
0x65: {  	_ =	shalt  }
0x66: {  	_ =	shalt  }
0x67: {  	_ =	shalt  }
0x68: {  	_ =	shalt  }
0x69: {  	_ =	shalt  }
0x6a: {  	_ =	shalt  }
0x6b: {  	_ =	shalt  }
0x6c: {  	_ =	shalt  }
0x6d: {  	_ =	shalt  }
0x6e: {  	_ =	shalt  }
0x6f: {  	_ =	shalt  }
0x70: {  	_ =	shalt  }
0x71: {  	_ =	shalt  }
0x72: {  	_ =	shalt  }
0x73: {  	_ =	shalt  }
0x74: {  	_ =	shalt  }
0x75: {  	_ =	shalt  }
0x76: {  	_ =	shalt  }
0x77: {  	_ =	shalt  }
0x78: {  	_ =	shalt  }
0x79: {  	_ =	shalt  }
0x7a: {  	_ =	shalt  }
0x7b: {  	_ =	shalt  }
0x7c: {  	_ =	shalt  }
0x7d: {  	_ =	shalt  }
0x7e: {  	_ =	shalt  }
0x7f: {  	_ =	shalt  }
0x80: {  	_ =	shalt  }
0x81: {  	_ =	shalt  }
0x82: {  	_ =	shalt  }
0x83: {  	_ =	shalt  }
0x84: {  	_ =	shalt  }
0x85: {  	_ =	shalt  }
0x86: {  	_ =	shalt  }
0x87: {  	_ =	shalt  }
.Lfunc_end0:
.L_simem_size_0:
called_computation_lowered:
.L_overlay_start_0:
0x88: {  	s2 =	sld [smem:$0x3FD9]  }
0x89: {  	s3 =	sld [smem:$0x3FFE];
	_ =	sdelay $0x1  }
0x8a: {  	s1 =	srdreg.scid  }
0x8b: {  	s0 =	sand.u32 $0x1, s1  }
0x8c: {  	s17 =	sshll.u32 s0, $0xA;
	s2 =	sadd.s32 s3, s2  }
0x8d: {  	s2 =	sadd.s32 s2, s17  }
0x8e: {  	[smem:$0x3FBD] =	sst s2  }
0x8f: {  	_ = 	snop  }
0x90: {  	s2 =	sld [smem:$0x3FC9];
	(tm) =	ssettm $0x1  }
0x91: {  	s18 =	sld [smem:$0x3FFB];
	_ =	sdelay $0x3  }
0x92: {  	_ =	strace s18  }
0x93: {  	s3 =	sld [smem:$0x3FFC];
	_ =	sdelay $0x3  }
0x94: {  	_ =	strace s3  }
0x95: {  	s3 =	sld [smem:$0x3FFD];
	_ =	sdelay $0x3  }
0x96: {  	_ =	strace s3  }
0x97: {  	_ =	strace $0x8FFFFFFF  }
0x98: {  	s19 =	sld [smem:$0x3FDB];
	_ =	sdelay $0x1  }
0x99: {  	s4 =	simm.s32 $_scs_section_size  }
0x9a: {  	s5 =	simm.s32 $_size__tile_overlayer_lowered;
	s6 =	simm.s32 $_tile_overlayer_lowered  }
0x9b: {  	s22 =	simm.s32 $0x1BFF;
	s21 =	sshll.u32 s6, $0x1;
	s3 =	sadd.s32 s4, s19  }
0x9c: {  	s7 =	simm.s32 $0x0;
	s20 =	sshll.u32 s5, $0x1;
	s5 =	sadd.s32 s21, s3  }
0x9d: {  	[timem:s7], [sflag:s22] =	dma.local [hbm:s5], s20  }
0x9e: {  	_ =	swait.ge [sflag:s22], s20  }
0x9f: {  	s4 =	ssub.s32 $0x0, s20;
	[sflag:s22] =	ssyncset.done $0x0  }
0xa0: {  	[sflag:s22] =	ssyncadd.s32 s4;
	_ =	sdelay $0x1  }
0xa1: {  	s23 =	simm.s32 $0x1B8B  }
0xa2: {  	_ =	swait.ge [sflag:s23], $0x1  }
0xa3: {  	[sflag:s23] =	ssyncset.done $0x0  }
0xa4: {  	s25 =	simm.s32 $0x1B8E;
	s24 =	sld [smem:$0x3FFE];
	[sflag:s23] =	ssyncadd.s32 $0xFFFFFFFF  }
0xa5: {  	s26 =	simm.s32 $execute0_lowered;
	[smem:$0x3FD2] =	sst s25  }
0xa6: {  	s5 =	sshll.u32 s26, $0x1;
	_ =	strace $0x80000046;
	[dreg:$0x1] =	wrdreg $0xFFFFFFFF  }
0xa7: {  	s28 =	simm.s32 $_size_execute0_lowered;
	s3 =	sadd.s32 s3, s5;
	[dreg:$0x0] =	wrdreg $0x0  }
0xa8: {  	s5 =	sshll.u32 s28, $0x1;
	[dreg:$0x2] =	wrdreg s3  }
0xa9: {  	[dreg:$0x3] =	wrdreg s5  }
0xaa: {  	[dreg:$0x4] =	wrdreg $0xC0  }
0xab: {  	_ =	task [dreg:s7], $0x5FFFF  }
0xac: {  	[dreg:$0x1] =	wrdreg $0xFFFFFFFF  }
0xad: {  	[dreg:$0x0] =	wrdreg $0x60  }
0xae: {  	[dreg:$0x2] =	wrdreg s2  }
0xaf: {  	[dreg:$0x3] =	wrdreg s24  }
0xb0: {  	[dreg:$0x4] =	wrdreg $0x0  }
0xb1: {  	[dreg:$0x5] =	wrdreg $0x140000  }
0xb2: {  	[dreg:$0x6] =	wrdreg $0x9  }
0xb3: {  	_ =	task.clear_ibuf [dreg:s7], $0x7FFFF;
	_ =	strace $0x90000046  }
0xb4: {  	s29 =	simm.s32 $0x9;
	_ =	strace $0x80000048  }
0xb5: {  	_ =	swait.ge [sflag:s29], $0x1  }
0xb6: {  	[sflag:s29] =	ssyncadd.s32 $0xFFFFFFFF  }
0xb7: {  	_ =	strace $0x90000048  }
0xb8: {  	_ =	sfence  }
0xb9: {  	s30 =	sld [smem:$0x0];
	_ =	sdelay $0x2  }
0xba: {  	s31 =	sshll.u32 s1, $0xD;
	s1 =	sshrl.u32 s1, $0x2  }
0xbb: {  	s3 =	sand.u32 $0x4000, s31;
	s1 =	sadd.s32 s1, s30  }
0xbc: {  	s0 =	sor.u32 s3, s0;
	s1 =	sshll.u32 s1, $0x11  }
0xbd: {  	s0 =	sor.u32 s1, s0  }
0xbe: {  	s0 =	sadd.s32 $0x8F2B, s0  }
0xbf: {  	[sflag:s0] =	ssyncadd.remote.s32 $0x1  }
0xc0: {  	_ =	sfence.sel $0xFFFF  }
0xc1: {  	[dreg:$0x0] =	wrdreg $0xFFFFFFFF;
	(pc) =	sbr.abs _section_cstart, $3  }
0xc2: {  	[dreg:$0x1] =	wrdreg $0xFFFFFFFF  }
0xc3: {  	_ =	task.clear_ibuf [dreg:s7], $0x2FFFF;
	_ =	strace $0x9FFFFFFF  }
0xc4: {  	(tm) =	ssettm $0x7FFFFFFF  }
0xc5: {  	_ =	shalt  }
tec
execute0_lowered:
.L_overlay_start_1:
0x0: {  	(tag) =	ssettag $0x1  }
0x1: {  	s1 =	rddreg [dreg:$0x0]  }
0x2: {  	s6 =	rddreg [dreg:$0x1]  }
0x3: {  	s0 =	stileid.u32;
	s2 =	rddreg [dreg:$0x2]  }
0x4: {  	s3 =	srdreg.scid;
	s4 =	rddreg [dreg:$0x3]  }
0x5: {  	s5 =	simm.s32 $0x0;
	s11 =	simm.s32 $0x67;
	s7 =	smul.u32 $0x67, s0  }
0x6: {  	s8 =	smul.u32 $0x37, s0;
	s9 =	sand.u32 $0x1, s3;
	s3 =	rddreg [dreg:$0x4]  }
0x7: {  	s20 =	simm.s32 $0x18400;
	s14 =	smul.u32 $0x280, s0;
	[smem:$0x7FF] =	sst s5  }
0x8: {  	s29 =	smul.u32 $0x50000, s0;
	s15 =	sadd.s32 $0x67400, s6;
	s16 =	sadd.s32 $0x67A00, s6  }
0x9: {  	s10 =	smul.u32 $0x2800, s9;
	p0 =	seq.s32 s9, $0x0;
	_ =	strace $0x80000047  }
0xa: {  	s30 =	ssub.s32 $0x2, s9;
	s8 =	sadd.s32 $0x670, s8;
	s31 =	sshrl.u32 s29, $0x2  }
0xb: {  	s9 =	sshrl.u32 s30, $0x1;
	s12 =	sadd.s32 s14, s4;
	s11 =	simm.s32 @!p0 $0x37  }
0xc: {  	s19 =	sshrl.u32 s14, $0x3;
	s16 =	smov.u32 @p0 s15;
	s8 =	smov.u32 @p0 s7  }
0xd: {  	s28 =	sadd.s32 s14, s10;
	s18 =	ssub.s32 s30, s9;
	s15 =	sadd.s32 s16, s19  }
0xe: {  	s19 =	simm.s32 $0x2;
	s8 =	sshll.u32 s8, $0x4;
	s7 =	sshll.u32 s28, $0x4  }
0xf: {  	s17 =	sadd.s32 s8, s6;
	s13 =	sadd.s32 s7, s6;
	s6 =	sadd.s32 s31, s2  }
0x10: {  	s14 =	smax.u32 s18, $0x1;
	s18 =	simm.s32 $0x14280;
	s7 =	sadd.s32 $0x4000, s6  }
0x11: {  	s8 =	sadd.s32 $0x8000, s6;
	s9 =	sadd.s32 $0xC000, s6;
	s10 =	sadd.s32 $0x10000, s6  }
0x12: {  	v0 =	vimm.f32 $0.0e+00;
	v1 =	vimm.f32 $1.000000000e+00;
	s13 =	sadd.s32 $0x17400, s13;
	s16 =	sadd.s32 $0x3800, s17;
	s17 =	sadd.s32 $0xD600, s17  }
.LBB2_1:
0x13: {  	s21 =	simm.s32 $0x0;
	s22 =	simm.s32 $0x200  }
.LBB2_2:
0x14: {  	p0 =	sne.s32 s22, $0xFE00;
	[tilespmem:s21+$0x142F0] =	vst v0  }
0x15: {  	[tilespmem:s21+$0x14280] =	vst v0  }
0x16: {  	[tilespmem:s21+$0x14290] =	vst v0  }
.Ltmp0:
0x17: {  	[tilespmem:s21+$0x142A0] =	vst v0;
	(pc) =	sbr.rel @p0 .LBB2_2-.Ltmp0, $4  }
0x18: {  	[tilespmem:s21+$0x142B0] =	vst v0  }
0x19: {  	[tilespmem:s21+$0x142C0] =	vst v0  }
0x1a: {  	[tilespmem:s21+$0x142D0] =	vst v0  }
0x1b: {  	[tilespmem:s21+$0x142E0] =	vst v0;
	s21 =	sshra.s32 s22, $0x2;
	s22 =	sadd.s32 $0x200, s22  }
0x1c: {  	[tilespmem:s21+$0x142F0] =	vst v0  }
0x1d: {  	[tilespmem:s21+$0x14280] =	vst v0  }
0x1e: {  	[tilespmem:s21+$0x14290] =	vst v0  }
0x1f: {  	[tilespmem:s21+$0x142A0] =	vst v0  }
0x20: {  	[tilespmem:s21+$0x142B0] =	vst v0  }
0x21: {  	[tilespmem:s21+$0x142C0] =	vst v0  }
0x22: {  	[tilespmem:s21+$0x142D0] =	vst v0  }
0x23: {  	[tilespmem:s21+$0x142E0] =	vst v0  }
0x24: {  	[tilespmem:$0x18400] =	vst v0  }
0x25: {  	[tilespmem:$0x18410] =	vst v0  }
0x26: {  	[tilespmem:$0x18420] =	vst v0  }
0x27: {  	[tilespmem:$0x18430] =	vst v0  }
0x28: {  	[tilespmem:$0x18440] =	vst v0  }
0x29: {  	[tilespmem:$0x18450] =	vst v0  }
0x2a: {  	[tilespmem:$0x18460] =	vst v0  }
0x2b: {  	[tilespmem:$0x18470] =	vst v0  }
0x2c: {  	[tilespmem:$0x18480] =	vst v0  }
0x2d: {  	[tilespmem:$0x18490] =	vst v0  }
0x2e: {  	[tilespmem:$0x184A0] =	vst v0  }
0x2f: {  	[tilespmem:$0x184B0] =	vst v0  }
0x30: {  	[tilespmem:$0x184C0] =	vst v0  }
0x31: {  	[tilespmem:$0x184D0] =	vst v0  }
0x32: {  	[tilespmem:$0x184E0] =	vst v0  }
0x33: {  	[tilespmem:$0x184F0] =	vst v0  }
0x34: {  	[tilespmem:$0x18500] =	vst v0  }
0x35: {  	[tilespmem:$0x18510] =	vst v0  }
0x36: {  	[tilespmem:$0x18520] =	vst v0  }
0x37: {  	[tilespmem:$0x18530] =	vst v0  }
0x38: {  	[tilespmem:$0x18540] =	vst v0  }
0x39: {  	[tilespmem:$0x18550] =	vst v0  }
0x3a: {  	[tilespmem:$0x18560] =	vst v0  }
0x3b: {  	[tilespmem:$0x18570] =	vst v0  }
0x3c: {  	[tilespmem:$0x18580] =	vst v0  }
0x3d: {  	[tilespmem:$0x18590] =	vst v0  }
0x3e: {  	[tilespmem:$0x185A0] =	vst v0  }
0x3f: {  	[tilespmem:$0x185B0] =	vst v0  }
0x40: {  	[tilespmem:$0x185C0] =	vst v0  }
0x41: {  	[tilespmem:$0x185D0] =	vst v0  }
0x42: {  	[tilespmem:$0x185E0] =	vst v0  }
0x43: {  	[tilespmem:$0x185F0] =	vst v0  }
0x44: {  	[tilespmem:$0x18600] =	vst v0  }
0x45: {  	[tilespmem:$0x18610] =	vst v0  }
0x46: {  	[tilespmem:$0x18620] =	vst v0  }
0x47: {  	[tilespmem:$0x18630] =	vst v0  }
0x48: {  	[tilespmem:$0x18640] =	vst v0  }
0x49: {  	[tilespmem:$0x18650] =	vst v0  }
0x4a: {  	[tilespmem:$0x18660] =	vst v0  }
0x4b: {  	[tilespmem:$0x18670] =	vst v0  }
0x4c: {  	[tilespmem:$0x18380] =	vst v1  }
0x4d: {  	[tilespmem:$0x18390] =	vst v1  }
0x4e: {  	[tilespmem:$0x183A0] =	vst v1  }
0x4f: {  	[tilespmem:$0x183B0] =	vst v1  }
0x50: {  	[tilespmem:$0x183C0] =	vst v1  }
0x51: {  	[tilespmem:$0x183D0] =	vst v1  }
0x52: {  	[tilespmem:$0x183E0] =	vst v1  }
0x53: {  	[tilespmem:$0x183F0] =	vst v1  }
0x54: {  	[spmem:s6] =	stream.linear.scatter [tilespmem:s18], [sflag:$0x2], $0x4000, $0x38;
	[tilespmem:$0x18680] =	vst v63  }
0x55: {  	_ =	swait.ge [sflag:s19], $0x4000  }
0x56: {  	[sflag:s19] =	ssyncset.done $0x0  }
0x57: {  	[sflag:s19] =	ssyncadd.s32 $0xFFFFC000  }
0x58: {  	[spmem:s7] =	stream.linear.scatter [tilespmem:s18], [sflag:$0x2], $0x4000, $0x38;
	[tilespmem:$0x18680] =	vst v63  }
0x59: {  	_ =	swait.ge [sflag:s19], $0x4000  }
0x5a: {  	[sflag:s19] =	ssyncset.done $0x0  }
0x5b: {  	[sflag:s19] =	ssyncadd.s32 $0xFFFFC000  }
0x5c: {  	[spmem:s8] =	stream.linear.scatter [tilespmem:s18], [sflag:$0x2], $0x4000, $0x38;
	[tilespmem:$0x18680] =	vst v63  }
0x5d: {  	_ =	swait.ge [sflag:s19], $0x4000  }
0x5e: {  	[sflag:s19] =	ssyncset.done $0x0  }
0x5f: {  	[sflag:s19] =	ssyncadd.s32 $0xFFFFC000  }
0x60: {  	[spmem:s9] =	stream.linear.scatter [tilespmem:s18], [sflag:$0x2], $0x4000, $0x38;
	[tilespmem:$0x18680] =	vst v63  }
0x61: {  	_ =	swait.ge [sflag:s19], $0x4000  }
0x62: {  	[sflag:s19] =	ssyncset.done $0x0  }
0x63: {  	[sflag:s19] =	ssyncadd.s32 $0xFFFFC000  }
0x64: {  	[spmem:s10] =	stream.linear.scatter [tilespmem:s18], [sflag:$0x2], $0x4000, $0x38;
	[tilespmem:$0x18680] =	vst v63  }
0x65: {  	_ =	swait.ge [sflag:s19], $0x4000  }
0x66: {  	[sflag:s19] =	ssyncset.done $0x0  }
0x67: {  	[sflag:s19] =	ssyncadd.s32 $0xFFFFC000  }
0x68: {  	[spmem:s12] =	stream.linear.scatter [tilespmem:s20], [sflag:$0x2], $0x280, $0x38;
	[tilespmem:$0x18680] =	vst v63  }
0x69: {  	_ =	swait.ge [sflag:s19], $0x280  }
0x6a: {  	p0 =	sle.u32 s11, $0x0;
	[sflag:s19] =	ssyncset.done $0x0  }
0x6b: {  	s21 =	simm.s32 @!p0 $0x0;
	[sflag:s19] =	ssyncadd.s32 $0xFFFFFD80  }
0x6c: {  	s22 =	simm.s32 @!p0 $0x18280;
	s23 =	simm.s32 @!p0 $0x3;
	[bflag:$0x0] =	sbarrier.arrive $0xFFFF  }
0x6d: {  	[tilespmem:s22], [sflag:$0x3] =	stream.linear.gather @!p0 [hbm4b:s17+s21], $0x80, $0x38;
	[tilespmem:$0x18680] =	vst v63  }
0x6e: {  	_ =	swait.ge @!p0 [sflag:s23], $0x80;
	p0 =	por p0, p0  }
0x6f: {  	[sflag:s23] =	ssyncset.done @!p0 $0x0  }
0x70: {  	s24 =	simm.s32 @!p0 $0x18300;
	[sflag:s23] =	ssyncadd.s32 @!p0 $0xFFFFFF80  }
0x71: {  	[tilespmem:s24], [sflag:$0x3] =	stream.linear.gather @!p0 [hbm4b:s16+s21], $0x80, $0x38;
	[tilespmem:$0x18680] =	vst v63  }
0x72: {  	_ =	swait.ge @!p0 [sflag:s23], $0x80  }
0x73: {  	s25 =	simm.s32 @!p0 $0x80;
	[sflag:s23] =	ssyncset.done @!p0 $0x0  }
0x74: {  	s26 =	simm.s32 @!p0 $0x14280;
	s21 =	simm.s32 @!p0 $0x1;
	[sflag:s23] =	ssyncadd.s32 @!p0 $0xFFFFFF80  }
0x75: {  	[tilespmem:s26], [sflag:$0x1] =	stream.indirect.gather @!p0 [hbm4b:s1+s25], $0x80, s22, s25, $0xb8;
	[tilespmem:$0x18680] =	vst v63  }
0x76: {  	_ =	swait.ge @!p0 [sflag:s21], $0x4000  }
0x77: {  	[sflag:s21] =	ssyncset.done @!p0 $0x0  }
0x78: {  	[sflag:s21] =	ssyncadd.s32 @!p0 $0xFFFFC000  }
0x79: {  	[spmem:s2] =	stream.indirect.scatter.add.f32 @!p0 [tilespmem:s26], [sflag:$0x3], $0x80, s24, s25, $0xb8;
	[tilespmem:$0x18680] =	vst v63  }
0x7a: {  	_ =	swait.ge @!p0 [sflag:s23], $0x4000  }
0x7b: {  	[sflag:s23] =	ssyncset.done @!p0 $0x0  }
0x7c: {  	s21 =	simm.s32 @!p0 $0x18380;
	[sflag:s23] =	ssyncadd.s32 @!p0 $0xFFFFC000  }
0x7d: {  	[spmem:s4] =	stream.indirect.scatter.add.f32 @!p0 [tilespmem:s21], [sflag:$0x2], $0x1, s24, s25, $0xb8;
	[tilespmem:$0x18680] =	vst v63  }
0x7e: {  	p2 =	sle.u32 s11, $0x1;
	s22 =	sadd.s32 $0x10, s17;
	s24 =	simm.s32 @!p0 $0x2  }
0x7f: {  	s23 =	simm.s32 $0x2;
	s21 =	sadd.s32 $0x10, s16;
	_ =	swait.ge @!p0 [sflag:s24], $0x80  }
.LBB2_4:
0x80: {  	s25 =	simm.s32 @!p2 $0x0  }
0x81: {  	s26 =	simm.s32 @!p2 $0x18280;
	[sflag:s24] =	ssyncset.done @!p0 $0x0;
	s28 =	smov.u32 s23  }
0x82: {  	s23 =	sadd.s32 $0x1, s23;
	s29 =	simm.s32 @!p2 $0x3;
	[sflag:s24] =	ssyncadd.s32 @!p0 $0xFFFFFF80  }
0x83: {  	[tilespmem:s26], [sflag:$0x3] =	stream.linear.gather @!p2 [hbm4b:s22+s25], $0x80, $0x38;
	[tilespmem:$0x18680] =	vst v63  }
0x84: {  	p1 =	sne.s32 s23, $0x67;
	p0 =	por p2, p2;
	_ =	swait.ge @!p2 [sflag:s29], $0x80  }
0x85: {  	[sflag:s29] =	ssyncset.done @!p0 $0x0  }
0x86: {  	s30 =	simm.s32 @!p0 $0x18300;
	[sflag:s29] =	ssyncadd.s32 @!p0 $0xFFFFFF80  }
0x87: {  	[tilespmem:s30], [sflag:$0x3] =	stream.linear.gather @!p0 [hbm4b:s21+s25], $0x80, $0x38;
	[tilespmem:$0x18680] =	vst v63  }
0x88: {  	_ =	swait.ge @!p0 [sflag:s29], $0x80  }
0x89: {  	s24 =	simm.s32 @!p0 $0x1;
	[sflag:s29] =	ssyncset.done @!p0 $0x0  }
0x8a: {  	s31 =	simm.s32 @!p0 $0x14280;
	s25 =	simm.s32 @!p0 $0x80;
	[sflag:s29] =	ssyncadd.s32 @!p0 $0xFFFFFF80  }
0x8b: {  	[tilespmem:s31], [sflag:$0x1] =	stream.indirect.gather @!p0 [hbm4b:s1+s25], $0x80, s26, s25, $0xb8;
	[tilespmem:$0x18680] =	vst v63  }
0x8c: {  	_ =	swait.ge @!p0 [sflag:s24], $0x4000  }
0x8d: {  	[sflag:s24] =	ssyncset.done @!p0 $0x0  }
0x8e: {  	[sflag:s24] =	ssyncadd.s32 @!p0 $0xFFFFC000  }
0x8f: {  	[spmem:s2] =	stream.indirect.scatter.add.f32 @!p0 [tilespmem:s31], [sflag:$0x3], $0x80, s30, s25, $0xb8;
	[tilespmem:$0x18680] =	vst v63  }
.Ltmp1:
0x90: {  	_ =	swait.ge @!p0 [sflag:s29], $0x4000;
	(pc) =	sbr.rel @p1 .LBB2_4-.Ltmp1, $4  }
0x91: {  	s22 =	sadd.s32 $0x10, s22;
	[sflag:s29] =	ssyncset.done @!p0 $0x0  }
0x92: {  	s26 =	simm.s32 @!p0 $0x18380;
	s24 =	simm.s32 @!p0 $0x2;
	[sflag:s29] =	ssyncadd.s32 @!p0 $0xFFFFC000  }
0x93: {  	[spmem:s4] =	stream.indirect.scatter.add.f32 @!p0 [tilespmem:s26], [sflag:$0x2], $0x1, s30, s25, $0xb8;
	[tilespmem:$0x18680] =	vst v63  }
0x94: {  	p2 =	sge.u32 s28, s11;
	s21 =	sadd.s32 $0x10, s21;
	_ =	swait.ge @!p0 [sflag:s24], $0x80  }
0x95: {  	s23 =	simm.s32 @!p2 $0x0;
	[sflag:s24] =	ssyncset.done @!p0 $0x0  }
0x96: {  	s25 =	simm.s32 @!p2 $0x18280;
	s26 =	simm.s32 @!p2 $0x3;
	[sflag:s24] =	ssyncadd.s32 @!p0 $0xFFFFFF80  }
0x97: {  	[tilespmem:s25], [sflag:$0x3] =	stream.linear.gather @!p2 [hbm4b:s22+s23], $0x80, $0x38;
	[tilespmem:$0x18680] =	vst v63  }
0x98: {  	p0 =	por p2, p2;
	_ =	swait.ge @!p2 [sflag:s26], $0x80  }
0x99: {  	[sflag:s26] =	ssyncset.done @!p0 $0x0  }
0x9a: {  	s22 =	simm.s32 @!p0 $0x18300;
	[sflag:s26] =	ssyncadd.s32 @!p0 $0xFFFFFF80  }
0x9b: {  	[tilespmem:s22], [sflag:$0x3] =	stream.linear.gather @!p0 [hbm4b:s21+s23], $0x80, $0x38;
	[tilespmem:$0x18680] =	vst v63  }
0x9c: {  	_ =	swait.ge @!p0 [sflag:s26], $0x80  }
0x9d: {  	s24 =	simm.s32 @!p0 $0x14280;
	[sflag:s26] =	ssyncset.done @!p0 $0x0  }
0x9e: {  	s21 =	simm.s32 @!p0 $0x1;
	s23 =	simm.s32 @!p0 $0x80;
	[sflag:s26] =	ssyncadd.s32 @!p0 $0xFFFFFF80  }
0x9f: {  	[tilespmem:s24], [sflag:$0x1] =	stream.indirect.gather @!p0 [hbm4b:s1+s23], $0x80, s25, s23, $0xb8;
	[tilespmem:$0x18680] =	vst v63  }
0xa0: {  	_ =	swait.ge @!p0 [sflag:s21], $0x4000  }
0xa1: {  	[sflag:s21] =	ssyncset.done @!p0 $0x0  }
0xa2: {  	[sflag:s21] =	ssyncadd.s32 @!p0 $0xFFFFC000  }
0xa3: {  	[spmem:s2] =	stream.indirect.scatter.add.f32 @!p0 [tilespmem:s24], [sflag:$0x3], $0x80, s22, s23, $0xb8;
	[tilespmem:$0x18680] =	vst v63  }
0xa4: {  	_ =	swait.ge @!p0 [sflag:s26], $0x4000  }
0xa5: {  	[sflag:s26] =	ssyncset.done @!p0 $0x0  }
0xa6: {  	s21 =	simm.s32 @!p0 $0x18380;
	s24 =	simm.s32 @!p0 $0x2;
	[sflag:s26] =	ssyncadd.s32 @!p0 $0xFFFFC000  }
0xa7: {  	[spmem:s4] =	stream.indirect.scatter.add.f32 @!p0 [tilespmem:s21], [sflag:$0x2], $0x1, s22, s23, $0xb8;
	[tilespmem:$0x18680] =	vst v63  }
0xa8: {  	_ =	swait.ge @!p0 [sflag:s24], $0x80  }
0xa9: {  	[sflag:s24] =	ssyncset.done @!p0 $0x0  }
0xaa: {  	s29 =	sshll.u32 s0, $0x6;
	[sflag:s24] =	ssyncadd.s32 @!p0 $0xFFFFFF80  }
0xab: {  	s30 =	sshrl.u32 s6, $0x3;
	s21 =	sor.u32 $0x1C02, s29;
	[bflag:$0x0] =	sbarrier.arrive $0xFFFF  }
0xac: {  	[hbm:s13], [sflag:s21] =	dma.local [spmem:s30], $0x2800  }
0xad: {  	s5 =	sadd.s32 $0x1, s5;
	_ =	swait.ge [sflag:s19], $0x2800  }
0xae: {  	p0 =	sne.s32 s5, s14;
	[sflag:s19] =	ssyncset.done $0x0  }
.Ltmp2:
0xaf: {  	s31 =	sshrl.u32 s12, $0x3;
	[sflag:s19] =	ssyncadd.s32 $0xFFFFD800;
	(pc) =	sbr.rel @p0 .LBB2_1-.Ltmp2, $4  }
0xb0: {  	[hbm:s15], [sflag:s21] =	dma.local [spmem:s31], $0x50  }
0xb1: {  	_ =	swait.ge [sflag:s19], $0x50  }
0xb2: {  	[sflag:s19] =	ssyncset.done $0x0  }
0xb3: {  	[sflag:s19] =	ssyncadd.s32 $0xFFFFFFB0  }
0xb4: {  	_ =	sfence.sel $0x180000  }
0xb5: {  	[bflag:$0x0] =	sbarrier.arrive $0xFFFF  }
0xb6: {  	p0 =	sne.s32 s0, $0x0;
	_ =	strace $0x90000047  }
0xb7: {  	s0 =	sadd.s32 @!p0 $0x100000, s3;
	[bflag:$0x2] =	sbarrier.arrive $0xFFFF  }
0xb8: {  	[sflag:s0] =	ssyncadd.tile.s32 @!p0 $0x1;
	_ =	shalt  }
.Lfunc_end2:
_tile_overlayer_lowered:
.L_overlay_start_2:
0xb9: {  	(tag) =	ssettag $0x2  }
0xba: {  	s0 =	rddreg [dreg:$0x0];
	s2 =	stileid.u32  }
0xbb: {  	s1 =	rddreg [dreg:$0x1];
	p0 =	sne.s32 s2, $0x0  }
0xbc: {  	s3 =	rddreg [dreg:$0x2];
	[bflag:$0x3] =	sbarrier.arrive $0xFFFF;
	s2 =	simm.s32 @!p0 $0x1C02  }
0xbd: {  	[timem:s3], [sflag:s2] =	dma.local @!p0 [hbm:s0], s1  }
0xbe: {  	s0 =	simm.s32 @!p0 $0x2  }
0xbf: {  	_ =	swait.ge @!p0 [sflag:s0], s1  }
0xc0: {  	s1 =	ssub.s32 @!p0 $0x0, s1;
	[sflag:s0] =	ssyncset.done @!p0 $0x0  }
0xc1: {  	[sflag:s0] =	ssyncadd.s32 @!p0 s1  }
0xc2: {  	[bflag:$0x3] =	sbarrier.arrive $0xFFFF  }
0xc3: {  	_ =	shalt  }

</sc_bundles>
